<compile_context>
chip_gen: v7x
topology: tpu7x:2x2x1
jax: 0.10.2.dev20260603
libtpu: 0.0.44.dev20260713+nightly
codegen_flags: <defaults>
</compile_context>

<pallas_src>
import jax
import jax.numpy as jnp
from jax import lax
from jax.experimental import pallas as pl
from jax.experimental.pallas import tpu as pltpu
from jax.experimental.pallas import tpu_sc as plsc

NC = 2
NS = 16
L = 16
NW = NC * NS
B = 16384
D = 32
N = 1000000
BPW = B // NW
NG = BPW // L
CH = 128
NCH = BPW // CH


def _sc_body(iso_hbm, rand_hbm, idx1_hbm, idx2_hbm, beta_hbm, out_hbm,
             idx1_v, idx2_v, z1_v, z2_v, r1_v, r2_v, beta_v, out_v,
             sem_z, sem_r):
    wid = lax.axis_index("s") * NC + lax.axis_index("c")

    pltpu.sync_copy(idx1_hbm.at[pl.ds(wid * BPW, BPW)], idx1_v)
    pltpu.sync_copy(idx2_hbm.at[pl.ds(wid * BPW, BPW)], idx2_v)
    pltpu.sync_copy(beta_hbm, beta_v)

    copies = []
    for j in range(NCH):
        sl = pl.ds(j * CH, CH)
        copies.append(pltpu.async_copy(
            iso_hbm.at[idx1_v.at[pl.ds(j * CH, CH)]], z1_v.at[sl], sem_z))
        copies.append(pltpu.async_copy(
            iso_hbm.at[idx2_v.at[pl.ds(j * CH, CH)]], z2_v.at[sl], sem_z))
        copies.append(pltpu.async_copy(
            rand_hbm.at[idx1_v.at[pl.ds(j * CH, CH)]], r1_v.at[sl], sem_r))
        copies.append(pltpu.async_copy(
            rand_hbm.at[idx2_v.at[pl.ds(j * CH, CH)]], r2_v.at[sl], sem_r))
    for c in copies:
        c.wait()

    beta_vec = beta_v[...]
    iota = lax.iota(jnp.int32, L)

    def group(g, carry):
        sl = pl.ds(g * L, L)
        rows = g * L + iota
        acc = jnp.zeros((L,), jnp.float32)
        for d in range(D):
            col = jnp.full((L,), d, jnp.int32)
            a = plsc.load_gather(z1_v, [rows, col])
            b = plsc.load_gather(z2_v, [rows, col])
            df = a - b
            acc = acc + df * df
        seed = jnp.int32(0x5F3759DF) - (plsc.bitcast(acc, jnp.int32) >> 1)
        y = plsc.bitcast(seed, jnp.float32)
        h = acc * jnp.float32(0.5)
        for _ in range(3):
            y = y * (jnp.float32(1.5) - h * y * y)
        dist = acc * y
        out_v[sl] = r1_v[sl] + r2_v[sl] - beta_vec * dist
        return carry

    lax.fori_loop(0, NG, group, 0)
    pltpu.sync_copy(out_v, out_hbm.at[pl.ds(wid * BPW, BPW)])


def kernel(protein1_idx, protein2_idx, iso_emb, rand_eff, beta_iso):
    rand_1d = jnp.sum(rand_eff.astype(jnp.float32), axis=1)
    beta = jnp.full((L,), beta_iso, jnp.float32)
    mesh = plsc.VectorSubcoreMesh(
        core_axis_name="c", subcore_axis_name="s",
        num_cores=NC, num_subcores=NS)
    run = pl.kernel(
        _sc_body,
        out_type=jax.ShapeDtypeStruct((B,), jnp.float32),
        mesh=mesh,
        compiler_params=pltpu.CompilerParams(
            needs_layout_passes=False, use_tc_tiling_on_sc=False),
        scratch_types=[
            pltpu.VMEM((BPW,), jnp.int32),
            pltpu.VMEM((BPW,), jnp.int32),
            pltpu.VMEM((BPW, D), jnp.float32),
            pltpu.VMEM((BPW, D), jnp.float32),
            pltpu.VMEM((BPW,), jnp.float32),
            pltpu.VMEM((BPW,), jnp.float32),
            pltpu.VMEM((L,), jnp.float32),
            pltpu.VMEM((BPW,), jnp.float32),
            pltpu.SemaphoreType.DMA,
            pltpu.SemaphoreType.DMA,
        ],
    )
    return run(iso_emb, rand_1d, protein1_idx, protein2_idx, beta)

# --- scband reference (transcript-rebuilt; emitter-appended) ---
"""Pipeline reference for scband-multimodal-ldm-8684423872887 (READ-ONLY COPY).

The authoritative reference and input builder live on the scoring server;
editing this copy changes nothing except your own understanding.
"""

import jax, jax.numpy as jnp
import numpy as np

NUM_PROTEINS = 1000000
LATENT_DIM = 32
BATCH = 16384


def setup_inputs(seed: int = 0) -> dict:
    key = jax.random.key(seed)
    k1, k2, k3, k4 = jax.random.split(key, 4)
    protein1_idx = jax.random.randint(k1, (BATCH,), 0, NUM_PROTEINS)
    protein2_idx = jax.random.randint(k2, (BATCH,), 0, NUM_PROTEINS)
    iso_emb = jax.random.normal(k3, (NUM_PROTEINS, LATENT_DIM), dtype=jnp.float32) * 0.1
    rand_eff = jax.random.normal(k4, (NUM_PROTEINS, 1), dtype=jnp.float32) * 0.1
    beta_iso = jnp.array(1.0, dtype=jnp.float32)
    return {
        "protein1_idx": protein1_idx,
        "protein2_idx": protein2_idx,
        "iso_emb": iso_emb,
        "rand_eff": rand_eff,
        "beta_iso": beta_iso,
    }


def reference(protein1_idx, protein2_idx, iso_emb, rand_eff, beta_iso):
    # forward_isoform: logits = r1 + r2 - beta_iso * ||z1 - z2||_2
    z1 = jnp.take(iso_emb, protein1_idx, axis=0)
    z2 = jnp.take(iso_emb, protein2_idx, axis=0)
    diff = z1 - z2
    dist = jnp.sqrt(jnp.sum(diff * diff, axis=1))
    r1 = jnp.take(rand_eff, protein1_idx, axis=0)[:, 0]
    r2 = jnp.take(rand_eff, protein2_idx, axis=0)[:, 0]
    return r1 + r2 - beta_iso * dist

if __name__ == "__main__":
    import jax
    _d = setup_inputs()
    print(jax.jit(kernel)(*tuple(_d.values())))

</pallas_src>

<mosaic_0001>
#map = affine_map<(d0, d1) -> (0, 0)>
#map1 = affine_map<(d0, d1) -> (0)>
module attributes {stable_mosaic.version = 14 : i64} {
  func.func @_sc_body(%arg0: i32, %arg1: i32, %arg2: memref<1000000x32xf32, #tpu.memory_space<hbm>>, %arg3: memref<1000000xf32, #tpu.memory_space<hbm>>, %arg4: memref<16384xi32, #tpu.memory_space<hbm>>, %arg5: memref<16384xi32, #tpu.memory_space<hbm>>, %arg6: memref<16xf32, #tpu.memory_space<hbm>>, %arg7: memref<16384xf32, #tpu.memory_space<hbm>>, %arg8: memref<512xi32, #tpu.memory_space<vmem>>, %arg9: memref<512xi32, #tpu.memory_space<vmem>>, %arg10: memref<512x32xf32, #tpu.memory_space<vmem>>, %arg11: memref<512x32xf32, #tpu.memory_space<vmem>>, %arg12: memref<512xf32, #tpu.memory_space<vmem>>, %arg13: memref<512xf32, #tpu.memory_space<vmem>>, %arg14: memref<16xf32, #tpu.memory_space<vmem>>, %arg15: memref<512xf32, #tpu.memory_space<vmem>>, %arg16: memref<!tpu.dma_semaphore, #tpu.memory_space<semaphore_mem>>, %arg17: memref<!tpu.dma_semaphore, #tpu.memory_space<semaphore_mem>>) attributes {dimension_semantics = [#tpu.dimension_semantics<core_parallel>, #tpu.dimension_semantics<subcore_parallel>], iteration_bounds = array<i64: 2, 16>, scalar_prefetch = 0 : i64, scratch_operands = 10 : i64, tpu.core_type = #tpu.core_type<sc_vector_subcore>, window_params = [{transform_indices = #map}, {transform_indices = #map1}, {transform_indices = #map1}, {transform_indices = #map1}, {transform_indices = #map1}, {transform_indices = #map1}]} {
    %mul3A = arith.constant 2 : i32
    %mul3A_0 = arith.muli %arg1, %mul3A : i32
    %add3A = arith.addi %mul3A_0, %arg0 : i32
    %mul3A_1 = arith.constant 512 : i32
    %mul3A_2 = arith.muli %add3A, %mul3A_1 : i32
    "tpu.region"() ({
      %run_scoped3A = tpu.sem_alloc : memref<!tpu.dma_semaphore, #tpu.memory_space<semaphore_mem>>
      %dma_start3A_235 = tpu.memref_slice %arg4[%mul3A_2] : memref<16384xi32, #tpu.memory_space<hbm>> -> memref<512xi32, #tpu.memory_space<hbm>>
      %dma_start3A_236 = tpu.memref_slice %arg4[%mul3A_2] : memref<16384xi32, #tpu.memory_space<hbm>> -> memref<512xi32, #tpu.memory_space<hbm>>
      tpu.enqueue_dma source(%dma_start3A_236 : memref<512xi32, #tpu.memory_space<hbm>>) target(%arg8 : memref<512xi32, #tpu.memory_space<vmem>>) target_semaphore(%run_scoped3A : memref<!tpu.dma_semaphore, #tpu.memory_space<semaphore_mem>>)
      %dma_wait3A_237 = tpu.memref_slice %arg4[%mul3A_2] : memref<16384xi32, #tpu.memory_space<hbm>> -> memref<512xi32, #tpu.memory_space<hbm>>
      %dma_wait3A_238 = tpu.memref_slice %arg4[%mul3A_2] : memref<16384xi32, #tpu.memory_space<hbm>> -> memref<512xi32, #tpu.memory_space<hbm>>
      tpu.wait_dma2 semaphore(%run_scoped3A : memref<!tpu.dma_semaphore, #tpu.memory_space<semaphore_mem>>) src(%dma_wait3A_238 : memref<512xi32, #tpu.memory_space<hbm>>) dst(%arg8 : memref<512xi32, #tpu.memory_space<vmem>>)
      tpu.yield
    }) : () -> ()
    %mul3A_3 = arith.constant 512 : i32
    %mul3A_4 = arith.muli %add3A, %mul3A_3 : i32
    "tpu.region"() ({
      %run_scoped3A = tpu.sem_alloc : memref<!tpu.dma_semaphore, #tpu.memory_space<semaphore_mem>>
      %dma_start3A_235 = tpu.memref_slice %arg5[%mul3A_4] : memref<16384xi32, #tpu.memory_space<hbm>> -> memref<512xi32, #tpu.memory_space<hbm>>
      %dma_start3A_236 = tpu.memref_slice %arg5[%mul3A_4] : memref<16384xi32, #tpu.memory_space<hbm>> -> memref<512xi32, #tpu.memory_space<hbm>>
      tpu.enqueue_dma source(%dma_start3A_236 : memref<512xi32, #tpu.memory_space<hbm>>) target(%arg9 : memref<512xi32, #tpu.memory_space<vmem>>) target_semaphore(%run_scoped3A : memref<!tpu.dma_semaphore, #tpu.memory_space<semaphore_mem>>)
      %dma_wait3A_237 = tpu.memref_slice %arg5[%mul3A_4] : memref<16384xi32, #tpu.memory_space<hbm>> -> memref<512xi32, #tpu.memory_space<hbm>>
      %dma_wait3A_238 = tpu.memref_slice %arg5[%mul3A_4] : memref<16384xi32, #tpu.memory_space<hbm>> -> memref<512xi32, #tpu.memory_space<hbm>>
      tpu.wait_dma2 semaphore(%run_scoped3A : memref<!tpu.dma_semaphore, #tpu.memory_space<semaphore_mem>>) src(%dma_wait3A_238 : memref<512xi32, #tpu.memory_space<hbm>>) dst(%arg9 : memref<512xi32, #tpu.memory_space<vmem>>)
      tpu.yield
    }) : () -> ()
    "tpu.region"() ({
      %run_scoped3A = tpu.sem_alloc : memref<!tpu.dma_semaphore, #tpu.memory_space<semaphore_mem>>
      tpu.enqueue_dma source(%arg6 : memref<16xf32, #tpu.memory_space<hbm>>) target(%arg14 : memref<16xf32, #tpu.memory_space<vmem>>) target_semaphore(%run_scoped3A : memref<!tpu.dma_semaphore, #tpu.memory_space<semaphore_mem>>)
      tpu.wait_dma2 semaphore(%run_scoped3A : memref<!tpu.dma_semaphore, #tpu.memory_space<semaphore_mem>>) src(%arg6 : memref<16xf32, #tpu.memory_space<hbm>>) dst(%arg14 : memref<16xf32, #tpu.memory_space<vmem>>)
      tpu.yield
    }) : () -> ()
    %dma_start3A = arith.constant 0 : i32
    %dma_start3A_5 = arith.constant 0 : i32
    %dma_start3A_6 = tpu.memref_slice %arg10[%dma_start3A, %dma_start3A_5] : memref<512x32xf32, #tpu.memory_space<vmem>> -> memref<128x32xf32, #tpu.memory_space<vmem>>
    %dma_start3A_7 = arith.constant 0 : i32
    %dma_start3A_8 = tpu.memref_slice %arg8[%dma_start3A_7] : memref<512xi32, #tpu.memory_space<vmem>> -> memref<128xi32, #tpu.memory_space<vmem>>
    %dma_start3A_9 = arith.constant 0 : i32
    %dma_start3A_10 = arith.constant 0 : i32
    %dma_start3A_11 = tpu.memref_slice %arg2[%dma_start3A_9, %dma_start3A_10] : memref<1000000x32xf32, #tpu.memory_space<hbm>> -> memref<1000000x32xf32, #tpu.memory_space<hbm>>
    tpu.enqueue_indirect_dma source(%dma_start3A_11 : memref<1000000x32xf32, #tpu.memory_space<hbm>>) target(%dma_start3A_6 : memref<128x32xf32, #tpu.memory_space<vmem>>) offsets(%dma_start3A_8 : memref<128xi32, #tpu.memory_space<vmem>>) semaphore(%arg16 : memref<!tpu.dma_semaphore, #tpu.memory_space<semaphore_mem>>)
    %dma_start3A_12 = arith.constant 0 : i32
    %dma_start3A_13 = arith.constant 0 : i32
    %dma_start3A_14 = tpu.memref_slice %arg11[%dma_start3A_12, %dma_start3A_13] : memref<512x32xf32, #tpu.memory_space<vmem>> -> memref<128x32xf32, #tpu.memory_space<vmem>>
    %dma_start3A_15 = arith.constant 0 : i32
    %dma_start3A_16 = tpu.memref_slice %arg9[%dma_start3A_15] : memref<512xi32, #tpu.memory_space<vmem>> -> memref<128xi32, #tpu.memory_space<vmem>>
    %dma_start3A_17 = arith.constant 0 : i32
    %dma_start3A_18 = arith.constant 0 : i32
    %dma_start3A_19 = tpu.memref_slice %arg2[%dma_start3A_17, %dma_start3A_18] : memref<1000000x32xf32, #tpu.memory_space<hbm>> -> memref<1000000x32xf32, #tpu.memory_space<hbm>>
    tpu.enqueue_indirect_dma source(%dma_start3A_19 : memref<1000000x32xf32, #tpu.memory_space<hbm>>) target(%dma_start3A_14 : memref<128x32xf32, #tpu.memory_space<vmem>>) offsets(%dma_start3A_16 : memref<128xi32, #tpu.memory_space<vmem>>) semaphore(%arg16 : memref<!tpu.dma_semaphore, #tpu.memory_space<semaphore_mem>>)
    %dma_start3A_20 = arith.constant 0 : i32
    %dma_start3A_21 = tpu.memref_slice %arg12[%dma_start3A_20] : memref<512xf32, #tpu.memory_space<vmem>> -> memref<128xf32, #tpu.memory_space<vmem>>
    %dma_start3A_22 = arith.constant 0 : i32
    %dma_start3A_23 = tpu.memref_slice %arg8[%dma_start3A_22] : memref<512xi32, #tpu.memory_space<vmem>> -> memref<128xi32, #tpu.memory_space<vmem>>
    %dma_start3A_24 = arith.constant 0 : i32
    %dma_start3A_25 = tpu.memref_slice %arg3[%dma_start3A_24] : memref<1000000xf32, #tpu.memory_space<hbm>> -> memref<1000000xf32, #tpu.memory_space<hbm>>
    tpu.enqueue_indirect_dma source(%dma_start3A_25 : memref<1000000xf32, #tpu.memory_space<hbm>>) target(%dma_start3A_21 : memref<128xf32, #tpu.memory_space<vmem>>) offsets(%dma_start3A_23 : memref<128xi32, #tpu.memory_space<vmem>>) semaphore(%arg17 : memref<!tpu.dma_semaphore, #tpu.memory_space<semaphore_mem>>)
    %dma_start3A_26 = arith.constant 0 : i32
    %dma_start3A_27 = tpu.memref_slice %arg13[%dma_start3A_26] : memref<512xf32, #tpu.memory_space<vmem>> -> memref<128xf32, #tpu.memory_space<vmem>>
    %dma_start3A_28 = arith.constant 0 : i32
    %dma_start3A_29 = tpu.memref_slice %arg9[%dma_start3A_28] : memref<512xi32, #tpu.memory_space<vmem>> -> memref<128xi32, #tpu.memory_space<vmem>>
    %dma_start3A_30 = arith.constant 0 : i32
    %dma_start3A_31 = tpu.memref_slice %arg3[%dma_start3A_30] : memref<1000000xf32, #tpu.memory_space<hbm>> -> memref<1000000xf32, #tpu.memory_space<hbm>>
    tpu.enqueue_indirect_dma source(%dma_start3A_31 : memref<1000000xf32, #tpu.memory_space<hbm>>) target(%dma_start3A_27 : memref<128xf32, #tpu.memory_space<vmem>>) offsets(%dma_start3A_29 : memref<128xi32, #tpu.memory_space<vmem>>) semaphore(%arg17 : memref<!tpu.dma_semaphore, #tpu.memory_space<semaphore_mem>>)
    %dma_start3A_32 = arith.constant 128 : i32
    %dma_start3A_33 = arith.constant 0 : i32
    %dma_start3A_34 = tpu.memref_slice %arg10[%dma_start3A_32, %dma_start3A_33] : memref<512x32xf32, #tpu.memory_space<vmem>> -> memref<128x32xf32, #tpu.memory_space<vmem>>
    %dma_start3A_35 = arith.constant 128 : i32
    %dma_start3A_36 = tpu.memref_slice %arg8[%dma_start3A_35] : memref<512xi32, #tpu.memory_space<vmem>> -> memref<128xi32, #tpu.memory_space<vmem>>
    %dma_start3A_37 = arith.constant 0 : i32
    %dma_start3A_38 = arith.constant 0 : i32
    %dma_start3A_39 = tpu.memref_slice %arg2[%dma_start3A_37, %dma_start3A_38] : memref<1000000x32xf32, #tpu.memory_space<hbm>> -> memref<1000000x32xf32, #tpu.memory_space<hbm>>
    tpu.enqueue_indirect_dma source(%dma_start3A_39 : memref<1000000x32xf32, #tpu.memory_space<hbm>>) target(%dma_start3A_34 : memref<128x32xf32, #tpu.memory_space<vmem>>) offsets(%dma_start3A_36 : memref<128xi32, #tpu.memory_space<vmem>>) semaphore(%arg16 : memref<!tpu.dma_semaphore, #tpu.memory_space<semaphore_mem>>)
    %dma_start3A_40 = arith.constant 128 : i32
    %dma_start3A_41 = arith.constant 0 : i32
    %dma_start3A_42 = tpu.memref_slice %arg11[%dma_start3A_40, %dma_start3A_41] : memref<512x32xf32, #tpu.memory_space<vmem>> -> memref<128x32xf32, #tpu.memory_space<vmem>>
    %dma_start3A_43 = arith.constant 128 : i32
    %dma_start3A_44 = tpu.memref_slice %arg9[%dma_start3A_43] : memref<512xi32, #tpu.memory_space<vmem>> -> memref<128xi32, #tpu.memory_space<vmem>>
    %dma_start3A_45 = arith.constant 0 : i32
    %dma_start3A_46 = arith.constant 0 : i32
    %dma_start3A_47 = tpu.memref_slice %arg2[%dma_start3A_45, %dma_start3A_46] : memref<1000000x32xf32, #tpu.memory_space<hbm>> -> memref<1000000x32xf32, #tpu.memory_space<hbm>>
    tpu.enqueue_indirect_dma source(%dma_start3A_47 : memref<1000000x32xf32, #tpu.memory_space<hbm>>) target(%dma_start3A_42 : memref<128x32xf32, #tpu.memory_space<vmem>>) offsets(%dma_start3A_44 : memref<128xi32, #tpu.memory_space<vmem>>) semaphore(%arg16 : memref<!tpu.dma_semaphore, #tpu.memory_space<semaphore_mem>>)
    %dma_start3A_48 = arith.constant 128 : i32
    %dma_start3A_49 = tpu.memref_slice %arg12[%dma_start3A_48] : memref<512xf32, #tpu.memory_space<vmem>> -> memref<128xf32, #tpu.memory_space<vmem>>
    %dma_start3A_50 = arith.constant 128 : i32
    %dma_start3A_51 = tpu.memref_slice %arg8[%dma_start3A_50] : memref<512xi32, #tpu.memory_space<vmem>> -> memref<128xi32, #tpu.memory_space<vmem>>
    %dma_start3A_52 = arith.constant 0 : i32
    %dma_start3A_53 = tpu.memref_slice %arg3[%dma_start3A_52] : memref<1000000xf32, #tpu.memory_space<hbm>> -> memref<1000000xf32, #tpu.memory_space<hbm>>
    tpu.enqueue_indirect_dma source(%dma_start3A_53 : memref<1000000xf32, #tpu.memory_space<hbm>>) target(%dma_start3A_49 : memref<128xf32, #tpu.memory_space<vmem>>) offsets(%dma_start3A_51 : memref<128xi32, #tpu.memory_space<vmem>>) semaphore(%arg17 : memref<!tpu.dma_semaphore, #tpu.memory_space<semaphore_mem>>)
    %dma_start3A_54 = arith.constant 128 : i32
    %dma_start3A_55 = tpu.memref_slice %arg13[%dma_start3A_54] : memref<512xf32, #tpu.memory_space<vmem>> -> memref<128xf32, #tpu.memory_space<vmem>>
    %dma_start3A_56 = arith.constant 128 : i32
    %dma_start3A_57 = tpu.memref_slice %arg9[%dma_start3A_56] : memref<512xi32, #tpu.memory_space<vmem>> -> memref<128xi32, #tpu.memory_space<vmem>>
    %dma_start3A_58 = arith.constant 0 : i32
    %dma_start3A_59 = tpu.memref_slice %arg3[%dma_start3A_58] : memref<1000000xf32, #tpu.memory_space<hbm>> -> memref<1000000xf32, #tpu.memory_space<hbm>>
    tpu.enqueue_indirect_dma source(%dma_start3A_59 : memref<1000000xf32, #tpu.memory_space<hbm>>) target(%dma_start3A_55 : memref<128xf32, #tpu.memory_space<vmem>>) offsets(%dma_start3A_57 : memref<128xi32, #tpu.memory_space<vmem>>) semaphore(%arg17 : memref<!tpu.dma_semaphore, #tpu.memory_space<semaphore_mem>>)
    %dma_start3A_60 = arith.constant 256 : i32
    %dma_start3A_61 = arith.constant 0 : i32
    %dma_start3A_62 = tpu.memref_slice %arg10[%dma_start3A_60, %dma_start3A_61] : memref<512x32xf32, #tpu.memory_space<vmem>> -> memref<128x32xf32, #tpu.memory_space<vmem>>
    %dma_start3A_63 = arith.constant 256 : i32
    %dma_start3A_64 = tpu.memref_slice %arg8[%dma_start3A_63] : memref<512xi32, #tpu.memory_space<vmem>> -> memref<128xi32, #tpu.memory_space<vmem>>
    %dma_start3A_65 = arith.constant 0 : i32
    %dma_start3A_66 = arith.constant 0 : i32
    %dma_start3A_67 = tpu.memref_slice %arg2[%dma_start3A_65, %dma_start3A_66] : memref<1000000x32xf32, #tpu.memory_space<hbm>> -> memref<1000000x32xf32, #tpu.memory_space<hbm>>
    tpu.enqueue_indirect_dma source(%dma_start3A_67 : memref<1000000x32xf32, #tpu.memory_space<hbm>>) target(%dma_start3A_62 : memref<128x32xf32, #tpu.memory_space<vmem>>) offsets(%dma_start3A_64 : memref<128xi32, #tpu.memory_space<vmem>>) semaphore(%arg16 : memref<!tpu.dma_semaphore, #tpu.memory_space<semaphore_mem>>)
    %dma_start3A_68 = arith.constant 256 : i32
    %dma_start3A_69 = arith.constant 0 : i32
    %dma_start3A_70 = tpu.memref_slice %arg11[%dma_start3A_68, %dma_start3A_69] : memref<512x32xf32, #tpu.memory_space<vmem>> -> memref<128x32xf32, #tpu.memory_space<vmem>>
    %dma_start3A_71 = arith.constant 256 : i32
    %dma_start3A_72 = tpu.memref_slice %arg9[%dma_start3A_71] : memref<512xi32, #tpu.memory_space<vmem>> -> memref<128xi32, #tpu.memory_space<vmem>>
    %dma_start3A_73 = arith.constant 0 : i32
    %dma_start3A_74 = arith.constant 0 : i32
    %dma_start3A_75 = tpu.memref_slice %arg2[%dma_start3A_73, %dma_start3A_74] : memref<1000000x32xf32, #tpu.memory_space<hbm>> -> memref<1000000x32xf32, #tpu.memory_space<hbm>>
    tpu.enqueue_indirect_dma source(%dma_start3A_75 : memref<1000000x32xf32, #tpu.memory_space<hbm>>) target(%dma_start3A_70 : memref<128x32xf32, #tpu.memory_space<vmem>>) offsets(%dma_start3A_72 : memref<128xi32, #tpu.memory_space<vmem>>) semaphore(%arg16 : memref<!tpu.dma_semaphore, #tpu.memory_space<semaphore_mem>>)
    %dma_start3A_76 = arith.constant 256 : i32
    %dma_start3A_77 = tpu.memref_slice %arg12[%dma_start3A_76] : memref<512xf32, #tpu.memory_space<vmem>> -> memref<128xf32, #tpu.memory_space<vmem>>
    %dma_start3A_78 = arith.constant 256 : i32
    %dma_start3A_79 = tpu.memref_slice %arg8[%dma_start3A_78] : memref<512xi32, #tpu.memory_space<vmem>> -> memref<128xi32, #tpu.memory_space<vmem>>
    %dma_start3A_80 = arith.constant 0 : i32
    %dma_start3A_81 = tpu.memref_slice %arg3[%dma_start3A_80] : memref<1000000xf32, #tpu.memory_space<hbm>> -> memref<1000000xf32, #tpu.memory_space<hbm>>
    tpu.enqueue_indirect_dma source(%dma_start3A_81 : memref<1000000xf32, #tpu.memory_space<hbm>>) target(%dma_start3A_77 : memref<128xf32, #tpu.memory_space<vmem>>) offsets(%dma_start3A_79 : memref<128xi32, #tpu.memory_space<vmem>>) semaphore(%arg17 : memref<!tpu.dma_semaphore, #tpu.memory_space<semaphore_mem>>)
    %dma_start3A_82 = arith.constant 256 : i32
    %dma_start3A_83 = tpu.memref_slice %arg13[%dma_start3A_82] : memref<512xf32, #tpu.memory_space<vmem>> -> memref<128xf32, #tpu.memory_space<vmem>>
    %dma_start3A_84 = arith.constant 256 : i32
    %dma_start3A_85 = tpu.memref_slice %arg9[%dma_start3A_84] : memref<512xi32, #tpu.memory_space<vmem>> -> memref<128xi32, #tpu.memory_space<vmem>>
    %dma_start3A_86 = arith.constant 0 : i32
    %dma_start3A_87 = tpu.memref_slice %arg3[%dma_start3A_86] : memref<1000000xf32, #tpu.memory_space<hbm>> -> memref<1000000xf32, #tpu.memory_space<hbm>>
    tpu.enqueue_indirect_dma source(%dma_start3A_87 : memref<1000000xf32, #tpu.memory_space<hbm>>) target(%dma_start3A_83 : memref<128xf32, #tpu.memory_space<vmem>>) offsets(%dma_start3A_85 : memref<128xi32, #tpu.memory_space<vmem>>) semaphore(%arg17 : memref<!tpu.dma_semaphore, #tpu.memory_space<semaphore_mem>>)
    %dma_start3A_88 = arith.constant 384 : i32
    %dma_start3A_89 = arith.constant 0 : i32
    %dma_start3A_90 = tpu.memref_slice %arg10[%dma_start3A_88, %dma_start3A_89] : memref<512x32xf32, #tpu.memory_space<vmem>> -> memref<128x32xf32, #tpu.memory_space<vmem>>
    %dma_start3A_91 = arith.constant 384 : i32
    %dma_start3A_92 = tpu.memref_slice %arg8[%dma_start3A_91] : memref<512xi32, #tpu.memory_space<vmem>> -> memref<128xi32, #tpu.memory_space<vmem>>
    %dma_start3A_93 = arith.constant 0 : i32
    %dma_start3A_94 = arith.constant 0 : i32
    %dma_start3A_95 = tpu.memref_slice %arg2[%dma_start3A_93, %dma_start3A_94] : memref<1000000x32xf32, #tpu.memory_space<hbm>> -> memref<1000000x32xf32, #tpu.memory_space<hbm>>
    tpu.enqueue_indirect_dma source(%dma_start3A_95 : memref<1000000x32xf32, #tpu.memory_space<hbm>>) target(%dma_start3A_90 : memref<128x32xf32, #tpu.memory_space<vmem>>) offsets(%dma_start3A_92 : memref<128xi32, #tpu.memory_space<vmem>>) semaphore(%arg16 : memref<!tpu.dma_semaphore, #tpu.memory_space<semaphore_mem>>)
    %dma_start3A_96 = arith.constant 384 : i32
    %dma_start3A_97 = arith.constant 0 : i32
    %dma_start3A_98 = tpu.memref_slice %arg11[%dma_start3A_96, %dma_start3A_97] : memref<512x32xf32, #tpu.memory_space<vmem>> -> memref<128x32xf32, #tpu.memory_space<vmem>>
    %dma_start3A_99 = arith.constant 384 : i32
    %dma_start3A_100 = tpu.memref_slice %arg9[%dma_start3A_99] : memref<512xi32, #tpu.memory_space<vmem>> -> memref<128xi32, #tpu.memory_space<vmem>>
    %dma_start3A_101 = arith.constant 0 : i32
    %dma_start3A_102 = arith.constant 0 : i32
    %dma_start3A_103 = tpu.memref_slice %arg2[%dma_start3A_101, %dma_start3A_102] : memref<1000000x32xf32, #tpu.memory_space<hbm>> -> memref<1000000x32xf32, #tpu.memory_space<hbm>>
    tpu.enqueue_indirect_dma source(%dma_start3A_103 : memref<1000000x32xf32, #tpu.memory_space<hbm>>) target(%dma_start3A_98 : memref<128x32xf32, #tpu.memory_space<vmem>>) offsets(%dma_start3A_100 : memref<128xi32, #tpu.memory_space<vmem>>) semaphore(%arg16 : memref<!tpu.dma_semaphore, #tpu.memory_space<semaphore_mem>>)
    %dma_start3A_104 = arith.constant 384 : i32
    %dma_start3A_105 = tpu.memref_slice %arg12[%dma_start3A_104] : memref<512xf32, #tpu.memory_space<vmem>> -> memref<128xf32, #tpu.memory_space<vmem>>
    %dma_start3A_106 = arith.constant 384 : i32
    %dma_start3A_107 = tpu.memref_slice %arg8[%dma_start3A_106] : memref<512xi32, #tpu.memory_space<vmem>> -> memref<128xi32, #tpu.memory_space<vmem>>
    %dma_start3A_108 = arith.constant 0 : i32
    %dma_start3A_109 = tpu.memref_slice %arg3[%dma_start3A_108] : memref<1000000xf32, #tpu.memory_space<hbm>> -> memref<1000000xf32, #tpu.memory_space<hbm>>
    tpu.enqueue_indirect_dma source(%dma_start3A_109 : memref<1000000xf32, #tpu.memory_space<hbm>>) target(%dma_start3A_105 : memref<128xf32, #tpu.memory_space<vmem>>) offsets(%dma_start3A_107 : memref<128xi32, #tpu.memory_space<vmem>>) semaphore(%arg17 : memref<!tpu.dma_semaphore, #tpu.memory_space<semaphore_mem>>)
    %dma_start3A_110 = arith.constant 384 : i32
    %dma_start3A_111 = tpu.memref_slice %arg13[%dma_start3A_110] : memref<512xf32, #tpu.memory_space<vmem>> -> memref<128xf32, #tpu.memory_space<vmem>>
    %dma_start3A_112 = arith.constant 384 : i32
    %dma_start3A_113 = tpu.memref_slice %arg9[%dma_start3A_112] : memref<512xi32, #tpu.memory_space<vmem>> -> memref<128xi32, #tpu.memory_space<vmem>>
    %dma_start3A_114 = arith.constant 0 : i32
    %dma_start3A_115 = tpu.memref_slice %arg3[%dma_start3A_114] : memref<1000000xf32, #tpu.memory_space<hbm>> -> memref<1000000xf32, #tpu.memory_space<hbm>>
    tpu.enqueue_indirect_dma source(%dma_start3A_115 : memref<1000000xf32, #tpu.memory_space<hbm>>) target(%dma_start3A_111 : memref<128xf32, #tpu.memory_space<vmem>>) offsets(%dma_start3A_113 : memref<128xi32, #tpu.memory_space<vmem>>) semaphore(%arg17 : memref<!tpu.dma_semaphore, #tpu.memory_space<semaphore_mem>>)
    %dma_wait3A = arith.constant 0 : i32
    %dma_wait3A_116 = arith.constant 0 : i32
    %dma_wait3A_117 = tpu.memref_slice %arg10[%dma_wait3A, %dma_wait3A_116] : memref<512x32xf32, #tpu.memory_space<vmem>> -> memref<128x32xf32, #tpu.memory_space<vmem>>
    %dma_wait3A_118 = arith.constant 0 : i32
    %dma_wait3A_119 = tpu.memref_slice %arg8[%dma_wait3A_118] : memref<512xi32, #tpu.memory_space<vmem>> -> memref<128xi32, #tpu.memory_space<vmem>>
    %dma_wait3A_120 = arith.constant 0 : i32
    %dma_wait3A_121 = arith.constant 0 : i32
    %dma_wait3A_122 = tpu.memref_slice %arg2[%dma_wait3A_120, %dma_wait3A_121] : memref<1000000x32xf32, #tpu.memory_space<hbm>> -> memref<1000000x32xf32, #tpu.memory_space<hbm>>
    tpu.wait_indirect_dma semaphore(%arg16 : memref<!tpu.dma_semaphore, #tpu.memory_space<semaphore_mem>>) src(%dma_wait3A_122 : memref<1000000x32xf32, #tpu.memory_space<hbm>>) dst(%dma_wait3A_117 : memref<128x32xf32, #tpu.memory_space<vmem>>)
    %dma_wait3A_123 = arith.constant 0 : i32
    %dma_wait3A_124 = arith.constant 0 : i32
    %dma_wait3A_125 = tpu.memref_slice %arg11[%dma_wait3A_123, %dma_wait3A_124] : memref<512x32xf32, #tpu.memory_space<vmem>> -> memref<128x32xf32, #tpu.memory_space<vmem>>
    %dma_wait3A_126 = arith.constant 0 : i32
    %dma_wait3A_127 = tpu.memref_slice %arg9[%dma_wait3A_126] : memref<512xi32, #tpu.memory_space<vmem>> -> memref<128xi32, #tpu.memory_space<vmem>>
    %dma_wait3A_128 = arith.constant 0 : i32
    %dma_wait3A_129 = arith.constant 0 : i32
    %dma_wait3A_130 = tpu.memref_slice %arg2[%dma_wait3A_128, %dma_wait3A_129] : memref<1000000x32xf32, #tpu.memory_space<hbm>> -> memref<1000000x32xf32, #tpu.memory_space<hbm>>
    tpu.wait_indirect_dma semaphore(%arg16 : memref<!tpu.dma_semaphore, #tpu.memory_space<semaphore_mem>>) src(%dma_wait3A_130 : memref<1000000x32xf32, #tpu.memory_space<hbm>>) dst(%dma_wait3A_125 : memref<128x32xf32, #tpu.memory_space<vmem>>)
    %dma_wait3A_131 = arith.constant 0 : i32
    %dma_wait3A_132 = tpu.memref_slice %arg12[%dma_wait3A_131] : memref<512xf32, #tpu.memory_space<vmem>> -> memref<128xf32, #tpu.memory_space<vmem>>
    %dma_wait3A_133 = arith.constant 0 : i32
    %dma_wait3A_134 = tpu.memref_slice %arg8[%dma_wait3A_133] : memref<512xi32, #tpu.memory_space<vmem>> -> memref<128xi32, #tpu.memory_space<vmem>>
    %dma_wait3A_135 = arith.constant 0 : i32
    %dma_wait3A_136 = tpu.memref_slice %arg3[%dma_wait3A_135] : memref<1000000xf32, #tpu.memory_space<hbm>> -> memref<1000000xf32, #tpu.memory_space<hbm>>
    tpu.wait_indirect_dma semaphore(%arg17 : memref<!tpu.dma_semaphore, #tpu.memory_space<semaphore_mem>>) src(%dma_wait3A_136 : memref<1000000xf32, #tpu.memory_space<hbm>>) dst(%dma_wait3A_132 : memref<128xf32, #tpu.memory_space<vmem>>)
    %dma_wait3A_137 = arith.constant 0 : i32
    %dma_wait3A_138 = tpu.memref_slice %arg13[%dma_wait3A_137] : memref<512xf32, #tpu.memory_space<vmem>> -> memref<128xf32, #tpu.memory_space<vmem>>
    %dma_wait3A_139 = arith.constant 0 : i32
    %dma_wait3A_140 = tpu.memref_slice %arg9[%dma_wait3A_139] : memref<512xi32, #tpu.memory_space<vmem>> -> memref<128xi32, #tpu.memory_space<vmem>>
    %dma_wait3A_141 = arith.constant 0 : i32
    %dma_wait3A_142 = tpu.memref_slice %arg3[%dma_wait3A_141] : memref<1000000xf32, #tpu.memory_space<hbm>> -> memref<1000000xf32, #tpu.memory_space<hbm>>
    tpu.wait_indirect_dma semaphore(%arg17 : memref<!tpu.dma_semaphore, #tpu.memory_space<semaphore_mem>>) src(%dma_wait3A_142 : memref<1000000xf32, #tpu.memory_space<hbm>>) dst(%dma_wait3A_138 : memref<128xf32, #tpu.memory_space<vmem>>)
    %dma_wait3A_143 = arith.constant 128 : i32
    %dma_wait3A_144 = arith.constant 0 : i32
    %dma_wait3A_145 = tpu.memref_slice %arg10[%dma_wait3A_143, %dma_wait3A_144] : memref<512x32xf32, #tpu.memory_space<vmem>> -> memref<128x32xf32, #tpu.memory_space<vmem>>
    %dma_wait3A_146 = arith.constant 128 : i32
    %dma_wait3A_147 = tpu.memref_slice %arg8[%dma_wait3A_146] : memref<512xi32, #tpu.memory_space<vmem>> -> memref<128xi32, #tpu.memory_space<vmem>>
    %dma_wait3A_148 = arith.constant 0 : i32
    %dma_wait3A_149 = arith.constant 0 : i32
    %dma_wait3A_150 = tpu.memref_slice %arg2[%dma_wait3A_148, %dma_wait3A_149] : memref<1000000x32xf32, #tpu.memory_space<hbm>> -> memref<1000000x32xf32, #tpu.memory_space<hbm>>
    tpu.wait_indirect_dma semaphore(%arg16 : memref<!tpu.dma_semaphore, #tpu.memory_space<semaphore_mem>>) src(%dma_wait3A_150 : memref<1000000x32xf32, #tpu.memory_space<hbm>>) dst(%dma_wait3A_145 : memref<128x32xf32, #tpu.memory_space<vmem>>)
    %dma_wait3A_151 = arith.constant 128 : i32
    %dma_wait3A_152 = arith.constant 0 : i32
    %dma_wait3A_153 = tpu.memref_slice %arg11[%dma_wait3A_151, %dma_wait3A_152] : memref<512x32xf32, #tpu.memory_space<vmem>> -> memref<128x32xf32, #tpu.memory_space<vmem>>
    %dma_wait3A_154 = arith.constant 128 : i32
    %dma_wait3A_155 = tpu.memref_slice %arg9[%dma_wait3A_154] : memref<512xi32, #tpu.memory_space<vmem>> -> memref<128xi32, #tpu.memory_space<vmem>>
    %dma_wait3A_156 = arith.constant 0 : i32
    %dma_wait3A_157 = arith.constant 0 : i32
    %dma_wait3A_158 = tpu.memref_slice %arg2[%dma_wait3A_156, %dma_wait3A_157] : memref<1000000x32xf32, #tpu.memory_space<hbm>> -> memref<1000000x32xf32, #tpu.memory_space<hbm>>
    tpu.wait_indirect_dma semaphore(%arg16 : memref<!tpu.dma_semaphore, #tpu.memory_space<semaphore_mem>>) src(%dma_wait3A_158 : memref<1000000x32xf32, #tpu.memory_space<hbm>>) dst(%dma_wait3A_153 : memref<128x32xf32, #tpu.memory_space<vmem>>)
    %dma_wait3A_159 = arith.constant 128 : i32
    %dma_wait3A_160 = tpu.memref_slice %arg12[%dma_wait3A_159] : memref<512xf32, #tpu.memory_space<vmem>> -> memref<128xf32, #tpu.memory_space<vmem>>
    %dma_wait3A_161 = arith.constant 128 : i32
    %dma_wait3A_162 = tpu.memref_slice %arg8[%dma_wait3A_161] : memref<512xi32, #tpu.memory_space<vmem>> -> memref<128xi32, #tpu.memory_space<vmem>>
    %dma_wait3A_163 = arith.constant 0 : i32
    %dma_wait3A_164 = tpu.memref_slice %arg3[%dma_wait3A_163] : memref<1000000xf32, #tpu.memory_space<hbm>> -> memref<1000000xf32, #tpu.memory_space<hbm>>
    tpu.wait_indirect_dma semaphore(%arg17 : memref<!tpu.dma_semaphore, #tpu.memory_space<semaphore_mem>>) src(%dma_wait3A_164 : memref<1000000xf32, #tpu.memory_space<hbm>>) dst(%dma_wait3A_160 : memref<128xf32, #tpu.memory_space<vmem>>)
    %dma_wait3A_165 = arith.constant 128 : i32
    %dma_wait3A_166 = tpu.memref_slice %arg13[%dma_wait3A_165] : memref<512xf32, #tpu.memory_space<vmem>> -> memref<128xf32, #tpu.memory_space<vmem>>
    %dma_wait3A_167 = arith.constant 128 : i32
    %dma_wait3A_168 = tpu.memref_slice %arg9[%dma_wait3A_167] : memref<512xi32, #tpu.memory_space<vmem>> -> memref<128xi32, #tpu.memory_space<vmem>>
    %dma_wait3A_169 = arith.constant 0 : i32
    %dma_wait3A_170 = tpu.memref_slice %arg3[%dma_wait3A_169] : memref<1000000xf32, #tpu.memory_space<hbm>> -> memref<1000000xf32, #tpu.memory_space<hbm>>
    tpu.wait_indirect_dma semaphore(%arg17 : memref<!tpu.dma_semaphore, #tpu.memory_space<semaphore_mem>>) src(%dma_wait3A_170 : memref<1000000xf32, #tpu.memory_space<hbm>>) dst(%dma_wait3A_166 : memref<128xf32, #tpu.memory_space<vmem>>)
    %dma_wait3A_171 = arith.constant 256 : i32
    %dma_wait3A_172 = arith.constant 0 : i32
    %dma_wait3A_173 = tpu.memref_slice %arg10[%dma_wait3A_171, %dma_wait3A_172] : memref<512x32xf32, #tpu.memory_space<vmem>> -> memref<128x32xf32, #tpu.memory_space<vmem>>
    %dma_wait3A_174 = arith.constant 256 : i32
    %dma_wait3A_175 = tpu.memref_slice %arg8[%dma_wait3A_174] : memref<512xi32, #tpu.memory_space<vmem>> -> memref<128xi32, #tpu.memory_space<vmem>>
    %dma_wait3A_176 = arith.constant 0 : i32
    %dma_wait3A_177 = arith.constant 0 : i32
    %dma_wait3A_178 = tpu.memref_slice %arg2[%dma_wait3A_176, %dma_wait3A_177] : memref<1000000x32xf32, #tpu.memory_space<hbm>> -> memref<1000000x32xf32, #tpu.memory_space<hbm>>
    tpu.wait_indirect_dma semaphore(%arg16 : memref<!tpu.dma_semaphore, #tpu.memory_space<semaphore_mem>>) src(%dma_wait3A_178 : memref<1000000x32xf32, #tpu.memory_space<hbm>>) dst(%dma_wait3A_173 : memref<128x32xf32, #tpu.memory_space<vmem>>)
    %dma_wait3A_179 = arith.constant 256 : i32
    %dma_wait3A_180 = arith.constant 0 : i32
    %dma_wait3A_181 = tpu.memref_slice %arg11[%dma_wait3A_179, %dma_wait3A_180] : memref<512x32xf32, #tpu.memory_space<vmem>> -> memref<128x32xf32, #tpu.memory_space<vmem>>
    %dma_wait3A_182 = arith.constant 256 : i32
    %dma_wait3A_183 = tpu.memref_slice %arg9[%dma_wait3A_182] : memref<512xi32, #tpu.memory_space<vmem>> -> memref<128xi32, #tpu.memory_space<vmem>>
    %dma_wait3A_184 = arith.constant 0 : i32
    %dma_wait3A_185 = arith.constant 0 : i32
    %dma_wait3A_186 = tpu.memref_slice %arg2[%dma_wait3A_184, %dma_wait3A_185] : memref<1000000x32xf32, #tpu.memory_space<hbm>> -> memref<1000000x32xf32, #tpu.memory_space<hbm>>
    tpu.wait_indirect_dma semaphore(%arg16 : memref<!tpu.dma_semaphore, #tpu.memory_space<semaphore_mem>>) src(%dma_wait3A_186 : memref<1000000x32xf32, #tpu.memory_space<hbm>>) dst(%dma_wait3A_181 : memref<128x32xf32, #tpu.memory_space<vmem>>)
    %dma_wait3A_187 = arith.constant 256 : i32
    %dma_wait3A_188 = tpu.memref_slice %arg12[%dma_wait3A_187] : memref<512xf32, #tpu.memory_space<vmem>> -> memref<128xf32, #tpu.memory_space<vmem>>
    %dma_wait3A_189 = arith.constant 256 : i32
    %dma_wait3A_190 = tpu.memref_slice %arg8[%dma_wait3A_189] : memref<512xi32, #tpu.memory_space<vmem>> -> memref<128xi32, #tpu.memory_space<vmem>>
    %dma_wait3A_191 = arith.constant 0 : i32
    %dma_wait3A_192 = tpu.memref_slice %arg3[%dma_wait3A_191] : memref<1000000xf32, #tpu.memory_space<hbm>> -> memref<1000000xf32, #tpu.memory_space<hbm>>
    tpu.wait_indirect_dma semaphore(%arg17 : memref<!tpu.dma_semaphore, #tpu.memory_space<semaphore_mem>>) src(%dma_wait3A_192 : memref<1000000xf32, #tpu.memory_space<hbm>>) dst(%dma_wait3A_188 : memref<128xf32, #tpu.memory_space<vmem>>)
    %dma_wait3A_193 = arith.constant 256 : i32
    %dma_wait3A_194 = tpu.memref_slice %arg13[%dma_wait3A_193] : memref<512xf32, #tpu.memory_space<vmem>> -> memref<128xf32, #tpu.memory_space<vmem>>
    %dma_wait3A_195 = arith.constant 256 : i32
    %dma_wait3A_196 = tpu.memref_slice %arg9[%dma_wait3A_195] : memref<512xi32, #tpu.memory_space<vmem>> -> memref<128xi32, #tpu.memory_space<vmem>>
    %dma_wait3A_197 = arith.constant 0 : i32
    %dma_wait3A_198 = tpu.memref_slice %arg3[%dma_wait3A_197] : memref<1000000xf32, #tpu.memory_space<hbm>> -> memref<1000000xf32, #tpu.memory_space<hbm>>
    tpu.wait_indirect_dma semaphore(%arg17 : memref<!tpu.dma_semaphore, #tpu.memory_space<semaphore_mem>>) src(%dma_wait3A_198 : memref<1000000xf32, #tpu.memory_space<hbm>>) dst(%dma_wait3A_194 : memref<128xf32, #tpu.memory_space<vmem>>)
    %dma_wait3A_199 = arith.constant 384 : i32
    %dma_wait3A_200 = arith.constant 0 : i32
    %dma_wait3A_201 = tpu.memref_slice %arg10[%dma_wait3A_199, %dma_wait3A_200] : memref<512x32xf32, #tpu.memory_space<vmem>> -> memref<128x32xf32, #tpu.memory_space<vmem>>
    %dma_wait3A_202 = arith.constant 384 : i32
    %dma_wait3A_203 = tpu.memref_slice %arg8[%dma_wait3A_202] : memref<512xi32, #tpu.memory_space<vmem>> -> memref<128xi32, #tpu.memory_space<vmem>>
    %dma_wait3A_204 = arith.constant 0 : i32
    %dma_wait3A_205 = arith.constant 0 : i32
    %dma_wait3A_206 = tpu.memref_slice %arg2[%dma_wait3A_204, %dma_wait3A_205] : memref<1000000x32xf32, #tpu.memory_space<hbm>> -> memref<1000000x32xf32, #tpu.memory_space<hbm>>
    tpu.wait_indirect_dma semaphore(%arg16 : memref<!tpu.dma_semaphore, #tpu.memory_space<semaphore_mem>>) src(%dma_wait3A_206 : memref<1000000x32xf32, #tpu.memory_space<hbm>>) dst(%dma_wait3A_201 : memref<128x32xf32, #tpu.memory_space<vmem>>)
    %dma_wait3A_207 = arith.constant 384 : i32
    %dma_wait3A_208 = arith.constant 0 : i32
    %dma_wait3A_209 = tpu.memref_slice %arg11[%dma_wait3A_207, %dma_wait3A_208] : memref<512x32xf32, #tpu.memory_space<vmem>> -> memref<128x32xf32, #tpu.memory_space<vmem>>
    %dma_wait3A_210 = arith.constant 384 : i32
    %dma_wait3A_211 = tpu.memref_slice %arg9[%dma_wait3A_210] : memref<512xi32, #tpu.memory_space<vmem>> -> memref<128xi32, #tpu.memory_space<vmem>>
    %dma_wait3A_212 = arith.constant 0 : i32
    %dma_wait3A_213 = arith.constant 0 : i32
    %dma_wait3A_214 = tpu.memref_slice %arg2[%dma_wait3A_212, %dma_wait3A_213] : memref<1000000x32xf32, #tpu.memory_space<hbm>> -> memref<1000000x32xf32, #tpu.memory_space<hbm>>
    tpu.wait_indirect_dma semaphore(%arg16 : memref<!tpu.dma_semaphore, #tpu.memory_space<semaphore_mem>>) src(%dma_wait3A_214 : memref<1000000x32xf32, #tpu.memory_space<hbm>>) dst(%dma_wait3A_209 : memref<128x32xf32, #tpu.memory_space<vmem>>)
    %dma_wait3A_215 = arith.constant 384 : i32
    %dma_wait3A_216 = tpu.memref_slice %arg12[%dma_wait3A_215] : memref<512xf32, #tpu.memory_space<vmem>> -> memref<128xf32, #tpu.memory_space<vmem>>
    %dma_wait3A_217 = arith.constant 384 : i32
    %dma_wait3A_218 = tpu.memref_slice %arg8[%dma_wait3A_217] : memref<512xi32, #tpu.memory_space<vmem>> -> memref<128xi32, #tpu.memory_space<vmem>>
    %dma_wait3A_219 = arith.constant 0 : i32
    %dma_wait3A_220 = tpu.memref_slice %arg3[%dma_wait3A_219] : memref<1000000xf32, #tpu.memory_space<hbm>> -> memref<1000000xf32, #tpu.memory_space<hbm>>
    tpu.wait_indirect_dma semaphore(%arg17 : memref<!tpu.dma_semaphore, #tpu.memory_space<semaphore_mem>>) src(%dma_wait3A_220 : memref<1000000xf32, #tpu.memory_space<hbm>>) dst(%dma_wait3A_216 : memref<128xf32, #tpu.memory_space<vmem>>)
    %dma_wait3A_221 = arith.constant 384 : i32
    %dma_wait3A_222 = tpu.memref_slice %arg13[%dma_wait3A_221] : memref<512xf32, #tpu.memory_space<vmem>> -> memref<128xf32, #tpu.memory_space<vmem>>
    %dma_wait3A_223 = arith.constant 384 : i32
    %dma_wait3A_224 = tpu.memref_slice %arg9[%dma_wait3A_223] : memref<512xi32, #tpu.memory_space<vmem>> -> memref<128xi32, #tpu.memory_space<vmem>>
    %dma_wait3A_225 = arith.constant 0 : i32
    %dma_wait3A_226 = tpu.memref_slice %arg3[%dma_wait3A_225] : memref<1000000xf32, #tpu.memory_space<hbm>> -> memref<1000000xf32, #tpu.memory_space<hbm>>
    tpu.wait_indirect_dma semaphore(%arg17 : memref<!tpu.dma_semaphore, #tpu.memory_space<semaphore_mem>>) src(%dma_wait3A_226 : memref<1000000xf32, #tpu.memory_space<hbm>>) dst(%dma_wait3A_222 : memref<128xf32, #tpu.memory_space<vmem>>)
    %get3A = arith.constant 0 : index
    %get3A_227 = tpu.vector_load %arg14[%get3A] {strides = array<i32>} : memref<16xf32, #tpu.memory_space<vmem>>, vector<16xf32>,
    %iota3A = tpu.iota {dimensions = array<i32: 0>} : vector<16xi32>
    %scan3A = arith.constant 0 : i32
    %scan3A_228 = arith.constant 0 : i32
    %scan3A_229 = arith.constant 32 : i32
    %scan3A_230 = arith.addi %scan3A_228, %scan3A_229 : i32
    %scan3A_231 = arith.constant 1 : i32
    scf.for %scan3A_235 = %scan3A_228 to %scan3A_230 step %scan3A_231  : i32 {
      %mul3A_236 = arith.constant 16 : i32
      %mul3A_237 = arith.muli %scan3A_235, %mul3A_236 : i32
      %mul3A_238 = arith.constant 16 : i32
      %mul3A_239 = arith.muli %scan3A_235, %mul3A_238 : i32
      %add3A_240 = vector.broadcast %mul3A_239 : i32 to vector<16xi32>
      %add3A_241 = arith.addi %add3A_240, %iota3A : vector<16xi32>
      %broadcast_in_dim3A = arith.constant 0.000000e+00 : f32
      %broadcast_in_dim3A_242 = vector.broadcast %broadcast_in_dim3A : f32 to vector<16xf32>
      %broadcast_in_dim3A_243 = arith.constant 0 : i32
      %broadcast_in_dim3A_244 = vector.broadcast %broadcast_in_dim3A_243 : i32 to vector<16xi32>
      %gather3A = tpu.vector_load_idx %arg10[%add3A_241, %broadcast_in_dim3A_244] : memref<512x32xf32, #tpu.memory_space<vmem>>[vector<16xi32>, vector<16xi32>], vector<16xf32>,
      %gather3A_245 = tpu.vector_load_idx %arg11[%add3A_241, %broadcast_in_dim3A_244] : memref<512x32xf32, #tpu.memory_space<vmem>>[vector<16xi32>, vector<16xi32>], vector<16xf32>,
      %sub3A = arith.subf %gather3A, %gather3A_245 : vector<16xf32>
      %mul3A_246 = arith.mulf %sub3A, %sub3A : vector<16xf32>
      %add3A_247 = arith.addf %broadcast_in_dim3A_242, %mul3A_246 : vector<16xf32>
      %broadcast_in_dim3A_248 = arith.constant 1 : i32
      %broadcast_in_dim3A_249 = vector.broadcast %broadcast_in_dim3A_248 : i32 to vector<16xi32>
      %gather3A_250 = tpu.vector_load_idx %arg10[%add3A_241, %broadcast_in_dim3A_249] : memref<512x32xf32, #tpu.memory_space<vmem>>[vector<16xi32>, vector<16xi32>], vector<16xf32>,
      %gather3A_251 = tpu.vector_load_idx %arg11[%add3A_241, %broadcast_in_dim3A_249] : memref<512x32xf32, #tpu.memory_space<vmem>>[vector<16xi32>, vector<16xi32>], vector<16xf32>,
      %sub3A_252 = arith.subf %gather3A_250, %gather3A_251 : vector<16xf32>
      %mul3A_253 = arith.mulf %sub3A_252, %sub3A_252 : vector<16xf32>
      %add3A_254 = arith.addf %add3A_247, %mul3A_253 : vector<16xf32>
      %broadcast_in_dim3A_255 = arith.constant 2 : i32
      %broadcast_in_dim3A_256 = vector.broadcast %broadcast_in_dim3A_255 : i32 to vector<16xi32>
      %gather3A_257 = tpu.vector_load_idx %arg10[%add3A_241, %broadcast_in_dim3A_256] : memref<512x32xf32, #tpu.memory_space<vmem>>[vector<16xi32>, vector<16xi32>], vector<16xf32>,
      %gather3A_258 = tpu.vector_load_idx %arg11[%add3A_241, %broadcast_in_dim3A_256] : memref<512x32xf32, #tpu.memory_space<vmem>>[vector<16xi32>, vector<16xi32>], vector<16xf32>,
      %sub3A_259 = arith.subf %gather3A_257, %gather3A_258 : vector<16xf32>
      %mul3A_260 = arith.mulf %sub3A_259, %sub3A_259 : vector<16xf32>
      %add3A_261 = arith.addf %add3A_254, %mul3A_260 : vector<16xf32>
      %broadcast_in_dim3A_262 = arith.constant 3 : i32
      %broadcast_in_dim3A_263 = vector.broadcast %broadcast_in_dim3A_262 : i32 to vector<16xi32>
      %gather3A_264 = tpu.vector_load_idx %arg10[%add3A_241, %broadcast_in_dim3A_263] : memref<512x32xf32, #tpu.memory_space<vmem>>[vector<16xi32>, vector<16xi32>], vector<16xf32>,
      %gather3A_265 = tpu.vector_load_idx %arg11[%add3A_241, %broadcast_in_dim3A_263] : memref<512x32xf32, #tpu.memory_space<vmem>>[vector<16xi32>, vector<16xi32>], vector<16xf32>,
      %sub3A_266 = arith.subf %gather3A_264, %gather3A_265 : vector<16xf32>
      %mul3A_267 = arith.mulf %sub3A_266, %sub3A_266 : vector<16xf32>
      %add3A_268 = arith.addf %add3A_261, %mul3A_267 : vector<16xf32>
      %broadcast_in_dim3A_269 = arith.constant 4 : i32
      %broadcast_in_dim3A_270 = vector.broadcast %broadcast_in_dim3A_269 : i32 to vector<16xi32>
      %gather3A_271 = tpu.vector_load_idx %arg10[%add3A_241, %broadcast_in_dim3A_270] : memref<512x32xf32, #tpu.memory_space<vmem>>[vector<16xi32>, vector<16xi32>], vector<16xf32>,
      %gather3A_272 = tpu.vector_load_idx %arg11[%add3A_241, %broadcast_in_dim3A_270] : memref<512x32xf32, #tpu.memory_space<vmem>>[vector<16xi32>, vector<16xi32>], vector<16xf32>,
      %sub3A_273 = arith.subf %gather3A_271, %gather3A_272 : vector<16xf32>
      %mul3A_274 = arith.mulf %sub3A_273, %sub3A_273 : vector<16xf32>
      %add3A_275 = arith.addf %add3A_268, %mul3A_274 : vector<16xf32>
      %broadcast_in_dim3A_276 = arith.constant 5 : i32
      %broadcast_in_dim3A_277 = vector.broadcast %broadcast_in_dim3A_276 : i32 to vector<16xi32>
      %gather3A_278 = tpu.vector_load_idx %arg10[%add3A_241, %broadcast_in_dim3A_277] : memref<512x32xf32, #tpu.memory_space<vmem>>[vector<16xi32>, vector<16xi32>], vector<16xf32>,
      %gather3A_279 = tpu.vector_load_idx %arg11[%add3A_241, %broadcast_in_dim3A_277] : memref<512x32xf32, #tpu.memory_space<vmem>>[vector<16xi32>, vector<16xi32>], vector<16xf32>,
      %sub3A_280 = arith.subf %gather3A_278, %gather3A_279 : vector<16xf32>
      %mul3A_281 = arith.mulf %sub3A_280, %sub3A_280 : vector<16xf32>
      %add3A_282 = arith.addf %add3A_275, %mul3A_281 : vector<16xf32>
      %broadcast_in_dim3A_283 = arith.constant 6 : i32
      %broadcast_in_dim3A_284 = vector.broadcast %broadcast_in_dim3A_283 : i32 to vector<16xi32>
      %gather3A_285 = tpu.vector_load_idx %arg10[%add3A_241, %broadcast_in_dim3A_284] : memref<512x32xf32, #tpu.memory_space<vmem>>[vector<16xi32>, vector<16xi32>], vector<16xf32>,
      %gather3A_286 = tpu.vector_load_idx %arg11[%add3A_241, %broadcast_in_dim3A_284] : memref<512x32xf32, #tpu.memory_space<vmem>>[vector<16xi32>, vector<16xi32>], vector<16xf32>,
      %sub3A_287 = arith.subf %gather3A_285, %gather3A_286 : vector<16xf32>
      %mul3A_288 = arith.mulf %sub3A_287, %sub3A_287 : vector<16xf32>
      %add3A_289 = arith.addf %add3A_282, %mul3A_288 : vector<16xf32>
      %broadcast_in_dim3A_290 = arith.constant 7 : i32
      %broadcast_in_dim3A_291 = vector.broadcast %broadcast_in_dim3A_290 : i32 to vector<16xi32>
      %gather3A_292 = tpu.vector_load_idx %arg10[%add3A_241, %broadcast_in_dim3A_291] : memref<512x32xf32, #tpu.memory_space<vmem>>[vector<16xi32>, vector<16xi32>], vector<16xf32>,
      %gather3A_293 = tpu.vector_load_idx %arg11[%add3A_241, %broadcast_in_dim3A_291] : memref<512x32xf32, #tpu.memory_space<vmem>>[vector<16xi32>, vector<16xi32>], vector<16xf32>,
      %sub3A_294 = arith.subf %gather3A_292, %gather3A_293 : vector<16xf32>
      %mul3A_295 = arith.mulf %sub3A_294, %sub3A_294 : vector<16xf32>
      %add3A_296 = arith.addf %add3A_289, %mul3A_295 : vector<16xf32>
      %broadcast_in_dim3A_297 = arith.constant 8 : i32
      %broadcast_in_dim3A_298 = vector.broadcast %broadcast_in_dim3A_297 : i32 to vector<16xi32>
      %gather3A_299 = tpu.vector_load_idx %arg10[%add3A_241, %broadcast_in_dim3A_298] : memref<512x32xf32, #tpu.memory_space<vmem>>[vector<16xi32>, vector<16xi32>], vector<16xf32>,
      %gather3A_300 = tpu.vector_load_idx %arg11[%add3A_241, %broadcast_in_dim3A_298] : memref<512x32xf32, #tpu.memory_space<vmem>>[vector<16xi32>, vector<16xi32>], vector<16xf32>,
      %sub3A_301 = arith.subf %gather3A_299, %gather3A_300 : vector<16xf32>
      %mul3A_302 = arith.mulf %sub3A_301, %sub3A_301 : vector<16xf32>
      %add3A_303 = arith.addf %add3A_296, %mul3A_302 : vector<16xf32>
      %broadcast_in_dim3A_304 = arith.constant 9 : i32
      %broadcast_in_dim3A_305 = vector.broadcast %broadcast_in_dim3A_304 : i32 to vector<16xi32>
      %gather3A_306 = tpu.vector_load_idx %arg10[%add3A_241, %broadcast_in_dim3A_305] : memref<512x32xf32, #tpu.memory_space<vmem>>[vector<16xi32>, vector<16xi32>], vector<16xf32>,
      %gather3A_307 = tpu.vector_load_idx %arg11[%add3A_241, %broadcast_in_dim3A_305] : memref<512x32xf32, #tpu.memory_space<vmem>>[vector<16xi32>, vector<16xi32>], vector<16xf32>,
      %sub3A_308 = arith.subf %gather3A_306, %gather3A_307 : vector<16xf32>
      %mul3A_309 = arith.mulf %sub3A_308, %sub3A_308 : vector<16xf32>
      %add3A_310 = arith.addf %add3A_303, %mul3A_309 : vector<16xf32>
      %broadcast_in_dim3A_311 = arith.constant 10 : i32
      %broadcast_in_dim3A_312 = vector.broadcast %broadcast_in_dim3A_311 : i32 to vector<16xi32>
      %gather3A_313 = tpu.vector_load_idx %arg10[%add3A_241, %broadcast_in_dim3A_312] : memref<512x32xf32, #tpu.memory_space<vmem>>[vector<16xi32>, vector<16xi32>], vector<16xf32>,
      %gather3A_314 = tpu.vector_load_idx %arg11[%add3A_241, %broadcast_in_dim3A_312] : memref<512x32xf32, #tpu.memory_space<vmem>>[vector<16xi32>, vector<16xi32>], vector<16xf32>,
      %sub3A_315 = arith.subf %gather3A_313, %gather3A_314 : vector<16xf32>
      %mul3A_316 = arith.mulf %sub3A_315, %sub3A_315 : vector<16xf32>
      %add3A_317 = arith.addf %add3A_310, %mul3A_316 : vector<16xf32>
      %broadcast_in_dim3A_318 = arith.constant 11 : i32
      %broadcast_in_dim3A_319 = vector.broadcast %broadcast_in_dim3A_318 : i32 to vector<16xi32>
      %gather3A_320 = tpu.vector_load_idx %arg10[%add3A_241, %broadcast_in_dim3A_319] : memref<512x32xf32, #tpu.memory_space<vmem>>[vector<16xi32>, vector<16xi32>], vector<16xf32>,
      %gather3A_321 = tpu.vector_load_idx %arg11[%add3A_241, %broadcast_in_dim3A_319] : memref<512x32xf32, #tpu.memory_space<vmem>>[vector<16xi32>, vector<16xi32>], vector<16xf32>,
      %sub3A_322 = arith.subf %gather3A_320, %gather3A_321 : vector<16xf32>
      %mul3A_323 = arith.mulf %sub3A_322, %sub3A_322 : vector<16xf32>
      %add3A_324 = arith.addf %add3A_317, %mul3A_323 : vector<16xf32>
      %broadcast_in_dim3A_325 = arith.constant 12 : i32
      %broadcast_in_dim3A_326 = vector.broadcast %broadcast_in_dim3A_325 : i32 to vector<16xi32>
      %gather3A_327 = tpu.vector_load_idx %arg10[%add3A_241, %broadcast_in_dim3A_326] : memref<512x32xf32, #tpu.memory_space<vmem>>[vector<16xi32>, vector<16xi32>], vector<16xf32>,
      %gather3A_328 = tpu.vector_load_idx %arg11[%add3A_241, %broadcast_in_dim3A_326] : memref<512x32xf32, #tpu.memory_space<vmem>>[vector<16xi32>, vector<16xi32>], vector<16xf32>,
      %sub3A_329 = arith.subf %gather3A_327, %gather3A_328 : vector<16xf32>
      %mul3A_330 = arith.mulf %sub3A_329, %sub3A_329 : vector<16xf32>
      %add3A_331 = arith.addf %add3A_324, %mul3A_330 : vector<16xf32>
      %broadcast_in_dim3A_332 = arith.constant 13 : i32
      %broadcast_in_dim3A_333 = vector.broadcast %broadcast_in_dim3A_332 : i32 to vector<16xi32>
      %gather3A_334 = tpu.vector_load_idx %arg10[%add3A_241, %broadcast_in_dim3A_333] : memref<512x32xf32, #tpu.memory_space<vmem>>[vector<16xi32>, vector<16xi32>], vector<16xf32>,
      %gather3A_335 = tpu.vector_load_idx %arg11[%add3A_241, %broadcast_in_dim3A_333] : memref<512x32xf32, #tpu.memory_space<vmem>>[vector<16xi32>, vector<16xi32>], vector<16xf32>,
      %sub3A_336 = arith.subf %gather3A_334, %gather3A_335 : vector<16xf32>
      %mul3A_337 = arith.mulf %sub3A_336, %sub3A_336 : vector<16xf32>
      %add3A_338 = arith.addf %add3A_331, %mul3A_337 : vector<16xf32>
      %broadcast_in_dim3A_339 = arith.constant 14 : i32
      %broadcast_in_dim3A_340 = vector.broadcast %broadcast_in_dim3A_339 : i32 to vector<16xi32>
      %gather3A_341 = tpu.vector_load_idx %arg10[%add3A_241, %broadcast_in_dim3A_340] : memref<512x32xf32, #tpu.memory_space<vmem>>[vector<16xi32>, vector<16xi32>], vector<16xf32>,
      %gather3A_342 = tpu.vector_load_idx %arg11[%add3A_241, %broadcast_in_dim3A_340] : memref<512x32xf32, #tpu.memory_space<vmem>>[vector<16xi32>, vector<16xi32>], vector<16xf32>,
      %sub3A_343 = arith.subf %gather3A_341, %gather3A_342 : vector<16xf32>
      %mul3A_344 = arith.mulf %sub3A_343, %sub3A_343 : vector<16xf32>
      %add3A_345 = arith.addf %add3A_338, %mul3A_344 : vector<16xf32>
      %broadcast_in_dim3A_346 = arith.constant 15 : i32
      %broadcast_in_dim3A_347 = vector.broadcast %broadcast_in_dim3A_346 : i32 to vector<16xi32>
      %gather3A_348 = tpu.vector_load_idx %arg10[%add3A_241, %broadcast_in_dim3A_347] : memref<512x32xf32, #tpu.memory_space<vmem>>[vector<16xi32>, vector<16xi32>], vector<16xf32>,
      %gather3A_349 = tpu.vector_load_idx %arg11[%add3A_241, %broadcast_in_dim3A_347] : memref<512x32xf32, #tpu.memory_space<vmem>>[vector<16xi32>, vector<16xi32>], vector<16xf32>,
      %sub3A_350 = arith.subf %gather3A_348, %gather3A_349 : vector<16xf32>
      %mul3A_351 = arith.mulf %sub3A_350, %sub3A_350 : vector<16xf32>
      %add3A_352 = arith.addf %add3A_345, %mul3A_351 : vector<16xf32>
      %broadcast_in_dim3A_353 = arith.constant 16 : i32
      %broadcast_in_dim3A_354 = vector.broadcast %broadcast_in_dim3A_353 : i32 to vector<16xi32>
      %gather3A_355 = tpu.vector_load_idx %arg10[%add3A_241, %broadcast_in_dim3A_354] : memref<512x32xf32, #tpu.memory_space<vmem>>[vector<16xi32>, vector<16xi32>], vector<16xf32>,
      %gather3A_356 = tpu.vector_load_idx %arg11[%add3A_241, %broadcast_in_dim3A_354] : memref<512x32xf32, #tpu.memory_space<vmem>>[vector<16xi32>, vector<16xi32>], vector<16xf32>,
      %sub3A_357 = arith.subf %gather3A_355, %gather3A_356 : vector<16xf32>
      %mul3A_358 = arith.mulf %sub3A_357, %sub3A_357 : vector<16xf32>
      %add3A_359 = arith.addf %add3A_352, %mul3A_358 : vector<16xf32>
      %broadcast_in_dim3A_360 = arith.constant 17 : i32
      %broadcast_in_dim3A_361 = vector.broadcast %broadcast_in_dim3A_360 : i32 to vector<16xi32>
      %gather3A_362 = tpu.vector_load_idx %arg10[%add3A_241, %broadcast_in_dim3A_361] : memref<512x32xf32, #tpu.memory_space<vmem>>[vector<16xi32>, vector<16xi32>], vector<16xf32>,
      %gather3A_363 = tpu.vector_load_idx %arg11[%add3A_241, %broadcast_in_dim3A_361] : memref<512x32xf32, #tpu.memory_space<vmem>>[vector<16xi32>, vector<16xi32>], vector<16xf32>,
      %sub3A_364 = arith.subf %gather3A_362, %gather3A_363 : vector<16xf32>
      %mul3A_365 = arith.mulf %sub3A_364, %sub3A_364 : vector<16xf32>
      %add3A_366 = arith.addf %add3A_359, %mul3A_365 : vector<16xf32>
      %broadcast_in_dim3A_367 = arith.constant 18 : i32
      %broadcast_in_dim3A_368 = vector.broadcast %broadcast_in_dim3A_367 : i32 to vector<16xi32>
      %gather3A_369 = tpu.vector_load_idx %arg10[%add3A_241, %broadcast_in_dim3A_368] : memref<512x32xf32, #tpu.memory_space<vmem>>[vector<16xi32>, vector<16xi32>], vector<16xf32>,
      %gather3A_370 = tpu.vector_load_idx %arg11[%add3A_241, %broadcast_in_dim3A_368] : memref<512x32xf32, #tpu.memory_space<vmem>>[vector<16xi32>, vector<16xi32>], vector<16xf32>,
      %sub3A_371 = arith.subf %gather3A_369, %gather3A_370 : vector<16xf32>
      %mul3A_372 = arith.mulf %sub3A_371, %sub3A_371 : vector<16xf32>
      %add3A_373 = arith.addf %add3A_366, %mul3A_372 : vector<16xf32>
      %broadcast_in_dim3A_374 = arith.constant 19 : i32
      %broadcast_in_dim3A_375 = vector.broadcast %broadcast_in_dim3A_374 : i32 to vector<16xi32>
      %gather3A_376 = tpu.vector_load_idx %arg10[%add3A_241, %broadcast_in_dim3A_375] : memref<512x32xf32, #tpu.memory_space<vmem>>[vector<16xi32>, vector<16xi32>], vector<16xf32>,
      %gather3A_377 = tpu.vector_load_idx %arg11[%add3A_241, %broadcast_in_dim3A_375] : memref<512x32xf32, #tpu.memory_space<vmem>>[vector<16xi32>, vector<16xi32>], vector<16xf32>,
      %sub3A_378 = arith.subf %gather3A_376, %gather3A_377 : vector<16xf32>
      %mul3A_379 = arith.mulf %sub3A_378, %sub3A_378 : vector<16xf32>
      %add3A_380 = arith.addf %add3A_373, %mul3A_379 : vector<16xf32>
      %broadcast_in_dim3A_381 = arith.constant 20 : i32
      %broadcast_in_dim3A_382 = vector.broadcast %broadcast_in_dim3A_381 : i32 to vector<16xi32>
      %gather3A_383 = tpu.vector_load_idx %arg10[%add3A_241, %broadcast_in_dim3A_382] : memref<512x32xf32, #tpu.memory_space<vmem>>[vector<16xi32>, vector<16xi32>], vector<16xf32>,
      %gather3A_384 = tpu.vector_load_idx %arg11[%add3A_241, %broadcast_in_dim3A_382] : memref<512x32xf32, #tpu.memory_space<vmem>>[vector<16xi32>, vector<16xi32>], vector<16xf32>,
      %sub3A_385 = arith.subf %gather3A_383, %gather3A_384 : vector<16xf32>
      %mul3A_386 = arith.mulf %sub3A_385, %sub3A_385 : vector<16xf32>
      %add3A_387 = arith.addf %add3A_380, %mul3A_386 : vector<16xf32>
      %broadcast_in_dim3A_388 = arith.constant 21 : i32
      %broadcast_in_dim3A_389 = vector.broadcast %broadcast_in_dim3A_388 : i32 to vector<16xi32>
      %gather3A_390 = tpu.vector_load_idx %arg10[%add3A_241, %broadcast_in_dim3A_389] : memref<512x32xf32, #tpu.memory_space<vmem>>[vector<16xi32>, vector<16xi32>], vector<16xf32>,
      %gather3A_391 = tpu.vector_load_idx %arg11[%add3A_241, %broadcast_in_dim3A_389] : memref<512x32xf32, #tpu.memory_space<vmem>>[vector<16xi32>, vector<16xi32>], vector<16xf32>,
      %sub3A_392 = arith.subf %gather3A_390, %gather3A_391 : vector<16xf32>
      %mul3A_393 = arith.mulf %sub3A_392, %sub3A_392 : vector<16xf32>
      %add3A_394 = arith.addf %add3A_387, %mul3A_393 : vector<16xf32>
      %broadcast_in_dim3A_395 = arith.constant 22 : i32
      %broadcast_in_dim3A_396 = vector.broadcast %broadcast_in_dim3A_395 : i32 to vector<16xi32>
      %gather3A_397 = tpu.vector_load_idx %arg10[%add3A_241, %broadcast_in_dim3A_396] : memref<512x32xf32, #tpu.memory_space<vmem>>[vector<16xi32>, vector<16xi32>], vector<16xf32>,
      %gather3A_398 = tpu.vector_load_idx %arg11[%add3A_241, %broadcast_in_dim3A_396] : memref<512x32xf32, #tpu.memory_space<vmem>>[vector<16xi32>, vector<16xi32>], vector<16xf32>,
      %sub3A_399 = arith.subf %gather3A_397, %gather3A_398 : vector<16xf32>
      %mul3A_400 = arith.mulf %sub3A_399, %sub3A_399 : vector<16xf32>
      %add3A_401 = arith.addf %add3A_394, %mul3A_400 : vector<16xf32>
      %broadcast_in_dim3A_402 = arith.constant 23 : i32
      %broadcast_in_dim3A_403 = vector.broadcast %broadcast_in_dim3A_402 : i32 to vector<16xi32>
      %gather3A_404 = tpu.vector_load_idx %arg10[%add3A_241, %broadcast_in_dim3A_403] : memref<512x32xf32, #tpu.memory_space<vmem>>[vector<16xi32>, vector<16xi32>], vector<16xf32>,
      %gather3A_405 = tpu.vector_load_idx %arg11[%add3A_241, %broadcast_in_dim3A_403] : memref<512x32xf32, #tpu.memory_space<vmem>>[vector<16xi32>, vector<16xi32>], vector<16xf32>,
      %sub3A_406 = arith.subf %gather3A_404, %gather3A_405 : vector<16xf32>
      %mul3A_407 = arith.mulf %sub3A_406, %sub3A_406 : vector<16xf32>
      %add3A_408 = arith.addf %add3A_401, %mul3A_407 : vector<16xf32>
      %broadcast_in_dim3A_409 = arith.constant 24 : i32
      %broadcast_in_dim3A_410 = vector.broadcast %broadcast_in_dim3A_409 : i32 to vector<16xi32>
      %gather3A_411 = tpu.vector_load_idx %arg10[%add3A_241, %broadcast_in_dim3A_410] : memref<512x32xf32, #tpu.memory_space<vmem>>[vector<16xi32>, vector<16xi32>], vector<16xf32>,
      %gather3A_412 = tpu.vector_load_idx %arg11[%add3A_241, %broadcast_in_dim3A_410] : memref<512x32xf32, #tpu.memory_space<vmem>>[vector<16xi32>, vector<16xi32>], vector<16xf32>,
      %sub3A_413 = arith.subf %gather3A_411, %gather3A_412 : vector<16xf32>
      %mul3A_414 = arith.mulf %sub3A_413, %sub3A_413 : vector<16xf32>
      %add3A_415 = arith.addf %add3A_408, %mul3A_414 : vector<16xf32>
      %broadcast_in_dim3A_416 = arith.constant 25 : i32
      %broadcast_in_dim3A_417 = vector.broadcast %broadcast_in_dim3A_416 : i32 to vector<16xi32>
      %gather3A_418 = tpu.vector_load_idx %arg10[%add3A_241, %broadcast_in_dim3A_417] : memref<512x32xf32, #tpu.memory_space<vmem>>[vector<16xi32>, vector<16xi32>], vector<16xf32>,
      %gather3A_419 = tpu.vector_load_idx %arg11[%add3A_241, %broadcast_in_dim3A_417] : memref<512x32xf32, #tpu.memory_space<vmem>>[vector<16xi32>, vector<16xi32>], vector<16xf32>,
      %sub3A_420 = arith.subf %gather3A_418, %gather3A_419 : vector<16xf32>
      %mul3A_421 = arith.mulf %sub3A_420, %sub3A_420 : vector<16xf32>
      %add3A_422 = arith.addf %add3A_415, %mul3A_421 : vector<16xf32>
      %broadcast_in_dim3A_423 = arith.constant 26 : i32
      %broadcast_in_dim3A_424 = vector.broadcast %broadcast_in_dim3A_423 : i32 to vector<16xi32>
      %gather3A_425 = tpu.vector_load_idx %arg10[%add3A_241, %broadcast_in_dim3A_424] : memref<512x32xf32, #tpu.memory_space<vmem>>[vector<16xi32>, vector<16xi32>], vector<16xf32>,
      %gather3A_426 = tpu.vector_load_idx %arg11[%add3A_241, %broadcast_in_dim3A_424] : memref<512x32xf32, #tpu.memory_space<vmem>>[vector<16xi32>, vector<16xi32>], vector<16xf32>,
      %sub3A_427 = arith.subf %gather3A_425, %gather3A_426 : vector<16xf32>
      %mul3A_428 = arith.mulf %sub3A_427, %sub3A_427 : vector<16xf32>
      %add3A_429 = arith.addf %add3A_422, %mul3A_428 : vector<16xf32>
      %broadcast_in_dim3A_430 = arith.constant 27 : i32
      %broadcast_in_dim3A_431 = vector.broadcast %broadcast_in_dim3A_430 : i32 to vector<16xi32>
      %gather3A_432 = tpu.vector_load_idx %arg10[%add3A_241, %broadcast_in_dim3A_431] : memref<512x32xf32, #tpu.memory_space<vmem>>[vector<16xi32>, vector<16xi32>], vector<16xf32>,
      %gather3A_433 = tpu.vector_load_idx %arg11[%add3A_241, %broadcast_in_dim3A_431] : memref<512x32xf32, #tpu.memory_space<vmem>>[vector<16xi32>, vector<16xi32>], vector<16xf32>,
      %sub3A_434 = arith.subf %gather3A_432, %gather3A_433 : vector<16xf32>
      %mul3A_435 = arith.mulf %sub3A_434, %sub3A_434 : vector<16xf32>
      %add3A_436 = arith.addf %add3A_429, %mul3A_435 : vector<16xf32>
      %broadcast_in_dim3A_437 = arith.constant 28 : i32
      %broadcast_in_dim3A_438 = vector.broadcast %broadcast_in_dim3A_437 : i32 to vector<16xi32>
      %gather3A_439 = tpu.vector_load_idx %arg10[%add3A_241, %broadcast_in_dim3A_438] : memref<512x32xf32, #tpu.memory_space<vmem>>[vector<16xi32>, vector<16xi32>], vector<16xf32>,
      %gather3A_440 = tpu.vector_load_idx %arg11[%add3A_241, %broadcast_in_dim3A_438] : memref<512x32xf32, #tpu.memory_space<vmem>>[vector<16xi32>, vector<16xi32>], vector<16xf32>,
      %sub3A_441 = arith.subf %gather3A_439, %gather3A_440 : vector<16xf32>
      %mul3A_442 = arith.mulf %sub3A_441, %sub3A_441 : vector<16xf32>
      %add3A_443 = arith.addf %add3A_436, %mul3A_442 : vector<16xf32>
      %broadcast_in_dim3A_444 = arith.constant 29 : i32
      %broadcast_in_dim3A_445 = vector.broadcast %broadcast_in_dim3A_444 : i32 to vector<16xi32>
      %gather3A_446 = tpu.vector_load_idx %arg10[%add3A_241, %broadcast_in_dim3A_445] : memref<512x32xf32, #tpu.memory_space<vmem>>[vector<16xi32>, vector<16xi32>], vector<16xf32>,
      %gather3A_447 = tpu.vector_load_idx %arg11[%add3A_241, %broadcast_in_dim3A_445] : memref<512x32xf32, #tpu.memory_space<vmem>>[vector<16xi32>, vector<16xi32>], vector<16xf32>,
      %sub3A_448 = arith.subf %gather3A_446, %gather3A_447 : vector<16xf32>
      %mul3A_449 = arith.mulf %sub3A_448, %sub3A_448 : vector<16xf32>
      %add3A_450 = arith.addf %add3A_443, %mul3A_449 : vector<16xf32>
      %broadcast_in_dim3A_451 = arith.constant 30 : i32
      %broadcast_in_dim3A_452 = vector.broadcast %broadcast_in_dim3A_451 : i32 to vector<16xi32>
      %gather3A_453 = tpu.vector_load_idx %arg10[%add3A_241, %broadcast_in_dim3A_452] : memref<512x32xf32, #tpu.memory_space<vmem>>[vector<16xi32>, vector<16xi32>], vector<16xf32>,
      %gather3A_454 = tpu.vector_load_idx %arg11[%add3A_241, %broadcast_in_dim3A_452] : memref<512x32xf32, #tpu.memory_space<vmem>>[vector<16xi32>, vector<16xi32>], vector<16xf32>,
      %sub3A_455 = arith.subf %gather3A_453, %gather3A_454 : vector<16xf32>
      %mul3A_456 = arith.mulf %sub3A_455, %sub3A_455 : vector<16xf32>
      %add3A_457 = arith.addf %add3A_450, %mul3A_456 : vector<16xf32>
      %broadcast_in_dim3A_458 = arith.constant 31 : i32
      %broadcast_in_dim3A_459 = vector.broadcast %broadcast_in_dim3A_458 : i32 to vector<16xi32>
      %gather3A_460 = tpu.vector_load_idx %arg10[%add3A_241, %broadcast_in_dim3A_459] : memref<512x32xf32, #tpu.memory_space<vmem>>[vector<16xi32>, vector<16xi32>], vector<16xf32>,
      %gather3A_461 = tpu.vector_load_idx %arg11[%add3A_241, %broadcast_in_dim3A_459] : memref<512x32xf32, #tpu.memory_space<vmem>>[vector<16xi32>, vector<16xi32>], vector<16xf32>,
      %sub3A_462 = arith.subf %gather3A_460, %gather3A_461 : vector<16xf32>
      %mul3A_463 = arith.mulf %sub3A_462, %sub3A_462 : vector<16xf32>
      %add3A_464 = arith.addf %add3A_457, %mul3A_463 : vector<16xf32>
      %bitcast3A = vector.bitcast %add3A_464 : vector<16xf32> to vector<16xi32>
      %shift_right_arithmetic3A = arith.constant 1 : i32
      %shift_right_arithmetic3A_465 = vector.broadcast %shift_right_arithmetic3A : i32 to vector<16xi32>
      %shift_right_arithmetic3A_466 = arith.shrsi %bitcast3A, %shift_right_arithmetic3A_465 : vector<16xi32>
      %sub3A_467 = arith.constant 1597463007 : i32
      %sub3A_468 = vector.broadcast %sub3A_467 : i32 to vector<16xi32>
      %sub3A_469 = arith.subi %sub3A_468, %shift_right_arithmetic3A_466 : vector<16xi32>
      %bitcast3A_470 = vector.bitcast %sub3A_469 : vector<16xi32> to vector<16xf32>
      %mul3A_471 = arith.constant 5.000000e-01 : f32
      %mul3A_472 = vector.broadcast %mul3A_471 : f32 to vector<16xf32>
      %mul3A_473 = arith.mulf %add3A_464, %mul3A_472 : vector<16xf32>
      %mul3A_474 = arith.mulf %mul3A_473, %bitcast3A_470 : vector<16xf32>
      %mul3A_475 = arith.mulf %mul3A_474, %bitcast3A_470 : vector<16xf32>
      %sub3A_476 = arith.constant 1.500000e+00 : f32
      %sub3A_477 = vector.broadcast %sub3A_476 : f32 to vector<16xf32>
      %sub3A_478 = arith.subf %sub3A_477, %mul3A_475 : vector<16xf32>
      %mul3A_479 = arith.mulf %bitcast3A_470, %sub3A_478 : vector<16xf32>
      %mul3A_480 = arith.mulf %mul3A_473, %mul3A_479 : vector<16xf32>
      %mul3A_481 = arith.mulf %mul3A_480, %mul3A_479 : vector<16xf32>
      %sub3A_482 = arith.constant 1.500000e+00 : f32
      %sub3A_483 = vector.broadcast %sub3A_482 : f32 to vector<16xf32>
      %sub3A_484 = arith.subf %sub3A_483, %mul3A_481 : vector<16xf32>
      %mul3A_485 = arith.mulf %mul3A_479, %sub3A_484 : vector<16xf32>
      %mul3A_486 = arith.mulf %mul3A_473, %mul3A_485 : vector<16xf32>
      %mul3A_487 = arith.mulf %mul3A_486, %mul3A_485 : vector<16xf32>
      %sub3A_488 = arith.constant 1.500000e+00 : f32
      %sub3A_489 = vector.broadcast %sub3A_488 : f32 to vector<16xf32>
      %sub3A_490 = arith.subf %sub3A_489, %mul3A_487 : vector<16xf32>
      %mul3A_491 = arith.mulf %mul3A_485, %sub3A_490 : vector<16xf32>
      %mul3A_492 = arith.mulf %add3A_464, %mul3A_491 : vector<16xf32>
      %get3A_493 = arith.index_cast %mul3A_237 : i32 to index
      %get3A_494 = tpu.vector_load %arg12[%get3A_493] {strides = array<i32>} : memref<512xf32, #tpu.memory_space<vmem>>, vector<16xf32>,
      %get3A_495 = arith.index_cast %mul3A_237 : i32 to index
      %get3A_496 = tpu.vector_load %arg13[%get3A_495] {strides = array<i32>} : memref<512xf32, #tpu.memory_space<vmem>>, vector<16xf32>,
      %add3A_497 = arith.addf %get3A_494, %get3A_496 : vector<16xf32>
      %mul3A_498 = arith.mulf %get3A_227, %mul3A_492 : vector<16xf32>
      %sub3A_499 = arith.subf %add3A_497, %mul3A_498 : vector<16xf32>
      %swap3A = arith.index_cast %mul3A_237 : i32 to index
      %swap3A_500 = tpu.vector_load %arg15[%swap3A] {strides = array<i32>} : memref<512xf32, #tpu.memory_space<vmem>>, vector<16xf32>,
      tpu.vector_store %arg15[%swap3A], %sub3A_499 {strides = array<i32>} : memref<512xf32, #tpu.memory_space<vmem>>, vector<16xf32>,
    }
    %scan3A_232 = arith.constant 32 : i32
    %mul3A_233 = arith.constant 512 : i32
    %mul3A_234 = arith.muli %add3A, %mul3A_233 : i32
    "tpu.region"() ({
      %run_scoped3A = tpu.sem_alloc : memref<!tpu.dma_semaphore, #tpu.memory_space<semaphore_mem>>
      %dma_start3A_235 = tpu.memref_slice %arg7[%mul3A_234] : memref<16384xf32, #tpu.memory_space<hbm>> -> memref<512xf32, #tpu.memory_space<hbm>>
      %dma_start3A_236 = tpu.memref_slice %arg7[%mul3A_234] : memref<16384xf32, #tpu.memory_space<hbm>> -> memref<512xf32, #tpu.memory_space<hbm>>
      tpu.enqueue_dma source(%arg15 : memref<512xf32, #tpu.memory_space<vmem>>) target(%dma_start3A_236 : memref<512xf32, #tpu.memory_space<hbm>>) target_semaphore(%run_scoped3A : memref<!tpu.dma_semaphore, #tpu.memory_space<semaphore_mem>>)
      %dma_wait3A_237 = tpu.memref_slice %arg7[%mul3A_234] : memref<16384xf32, #tpu.memory_space<hbm>> -> memref<512xf32, #tpu.memory_space<hbm>>
      %dma_wait3A_238 = tpu.memref_slice %arg7[%mul3A_234] : memref<16384xf32, #tpu.memory_space<hbm>> -> memref<512xf32, #tpu.memory_space<hbm>>
      tpu.wait_dma2 semaphore(%run_scoped3A : memref<!tpu.dma_semaphore, #tpu.memory_space<semaphore_mem>>) src(%arg15 : memref<512xf32, #tpu.memory_space<vmem>>) dst(%dma_wait3A_238 : memref<512xf32, #tpu.memory_space<hbm>>)
      tpu.yield
    }) : () -> ()
    return
  }
}

</mosaic_0001>

<sc_bundles>
// kernel: kernel.3.cloned.1.call-start
scs
__scs_entry_jumppad:
0x0: {  	(pc) =	sbr.rel $0x88, $3  }
0x1: {  	(tag) =	ssettag $0x0;
	lr =	simm.s32 $0x1  }
0x2: {  	[smem:$0x3F9C] =	sst lr;
	_ =	strace $0xD0000000  }
0x3: {  	_ = 	snop  }
0x4: {  	_ = 	snop  }
0x5: {  	_ = 	snop  }
0x6: {  	_ = 	snop  }
0x7: {  	_ = 	snop  }
__scs_overlays_trampoline_lowered:
0x8: {  	[smem:$0x3FAB] =	sst s0  }
0x9: {  	[smem:$0x3FAC] =	sst s1  }
0xa: {  	[smem:$0x3FAD] =	sst s2  }
0xb: {  	[smem:$0x3FAE] =	sst s3  }
0xc: {  	[smem:$0x3FAF] =	sst s4  }
0xd: {  	[smem:$0x3FB0] =	sst s5  }
0xe: {  	[smem:$0x3FB1] =	sst s6  }
0xf: {  	[smem:$0x3FB2] =	sst s7  }
0x10: {  	[smem:$0x3FB3] =	sst s8  }
0x11: {  	[smem:$0x3FB4] =	sst s9;
	s0 =	simm.s32 @!p0 $0x0  }
0x12: {  	s1 =	sld [smem:$0x3F9A];
	s0 =	simm.s32 @p0 $0x1  }
0x13: {  	[smem:$0x3FB5] =	sst s0;
	s0 =	simm.s32 @!p1 $0x0  }
0x14: {  	s2 =	sld [smem:$0x3F99];
	s0 =	simm.s32 @p1 $0x1  }
0x15: {  	[smem:$0x3FB6] =	sst s0;
	s0 =	simm.s32 @!p2 $0x0  }
0x16: {  	s3 =	sld [smem:$0x3FDB];
	s0 =	simm.s32 @p2 $0x1  }
0x17: {  	s4 =	simm.s32 $0x1BF5;
	[smem:$0x3FB8] =	sst s0  }
0x18: {  	s0 =	sld [smem:$0x3F9B];
	_ =	swait.ge [sflag:s4], $0x0  }
0x19: {  	s7 =	sld [smem:$0x3F9C]  }
0x1a: {  	s8 =	sadd.s32 $0xFFFFE003, lr  }
0x1b: {  	s9 =	sadd.s32 $0xFFFFFEF7, lr;
	s5 =	simm.s32 $0xFFFFFFFF;
	p2 =	slt.u32 s8, $0xFFFFF086  }
0x1c: {  	p1 =	slt.u32 s9, $0xF7A;
	s5 =	simm.s32 @!p2 $0x0  }
0x1d: {  	s5 =	simm.s32 @p1 $0x1;
	p0 =	seq.s32 s7, s2  }
0x1e: {  	s7 =	smul.u32 @!p0 $0xF7A, s2;
	p2 =	seq.s32 @!p0 s5, $0x0  }
0x1f: {  	s9 =	smul.u32 $0xF7A, s1;
	s8 =	simm.s32 @!p0 $0x1BF5;
	p2 =	por !p2, p0  }
0x20: {  	[sflag:s8] =	ssyncset.s32 @!p0 $0xFFFFF086;
	s6 =	sadd.s32 @!p0 s3, s7;
	s7 =	simm.s32 @!p0 $0x108  }
0x21: {  	s3 =	sadd.s32 s3, s9;
	s6 =	sadd.s32 @!p0 $0x88, s6;
	s7 =	simm.s32 @p2 $0x1082  }
0x22: {  	[simem:s7], [sflag:s8] =	dma.local @!p0 [hbm:s6], $0xF7A  }
0x23: {  	s9 =	sor.u32 $0xD0000000, s2;
	s6 =	simm.s32 $0x108;
	_ =	swait.ge @!p0 [sflag:s8], $0x0  }
0x24: {  	s3 =	sadd.s32 $0x88, s3;
	s6 =	simm.s32 @!p1 $0x1082;
	[sflag:s4] =	ssyncset.s32 $0xFFFFF086  }
0x25: {  	[simem:s6], [sflag:s4] =	dma.local [hbm:s3], $0xF7A  }
0x26: {  	[smem:$0x3F9C] =	sst s1;
	(tag) =	ssettag s2;
	_ =	strace s9  }
0x27: {  	s1 =	sld [smem:$0x3FAC]  }
0x28: {  	s2 =	sld [smem:$0x3FAD]  }
0x29: {  	s4 =	sld [smem:$0x3FAF]  }
0x2a: {  	p0 =	seq.s32 s5, $0x0;
	s5 =	sld [smem:$0x3FB0]  }
0x2b: {  	s6 =	sld [smem:$0x3FB1]  }
0x2c: {  	s7 =	sld [smem:$0x3FB2]  }
0x2d: {  	s3 =	simm.s32 $0x108;
	s8 =	sld [smem:$0x3FB3]  }
0x2e: {  	s3 =	simm.s32 @!p0 $0x1082;
	s9 =	sld [smem:$0x3FB4]  }
0x2f: {  	lr =	sadd.s32 s0, s3;
	s0 =	sld [smem:$0x3FAB]  }
0x30: {  	s3 =	sld [smem:$0x3FAE]  }
0x31: {  	[smem:$0x3FB7] =	sst s10  }
0x32: {  	s10 =	sld [smem:$0x3FB5];
	_ =	sdelay $0x3  }
0x33: {  	p0 =	seq.s32 s10, $0x1;
	s10 =	sld [smem:$0x3FB7];
	_ =	sdelay $0x3  }
0x34: {  	[smem:$0x3FB7] =	sst s10  }
0x35: {  	s10 =	sld [smem:$0x3FB6];
	_ =	sdelay $0x3  }
0x36: {  	p1 =	seq.s32 s10, $0x1;
	s10 =	sld [smem:$0x3FB7];
	_ =	sdelay $0x3  }
0x37: {  	[smem:$0x3FB7] =	sst s10  }
0x38: {  	s10 =	sld [smem:$0x3FB8]  }
0x39: {  	_ = 	snop;
	(pc) =	sbr.ind lr, $3  }
0x3a: {  	_ = 	snop  }
0x3b: {  	_ = 	snop  }
0x3c: {  	p2 =	seq.s32 s10, $0x1;
	s10 =	sld [smem:$0x3FB7]  }
0x3d: {  	_ =	shalt  }
0x3e: {  	_ =	shalt  }
0x3f: {  	_ =	shalt  }
0x40: {  	_ =	shalt  }
0x41: {  	_ =	shalt  }
0x42: {  	_ =	shalt  }
0x43: {  	_ =	shalt  }
0x44: {  	_ =	shalt  }
0x45: {  	_ =	shalt  }
0x46: {  	_ =	shalt  }
0x47: {  	_ =	shalt  }
0x48: {  	_ =	shalt  }
0x49: {  	_ =	shalt  }
0x4a: {  	_ =	shalt  }
0x4b: {  	_ =	shalt  }
0x4c: {  	_ =	shalt  }
0x4d: {  	_ =	shalt  }
0x4e: {  	_ =	shalt  }
0x4f: {  	_ =	shalt  }
0x50: {  	_ =	shalt  }
0x51: {  	_ =	shalt  }
0x52: {  	_ =	shalt  }
0x53: {  	_ =	shalt  }
0x54: {  	_ =	shalt  }
0x55: {  	_ =	shalt  }
0x56: {  	_ =	shalt  }
0x57: {  	_ =	shalt  }
0x58: {  	_ =	shalt  }
0x59: {  	_ =	shalt  }
0x5a: {  	_ =	shalt  }
0x5b: {  	_ =	shalt  }
0x5c: {  	_ =	shalt  }
0x5d: {  	_ =	shalt  }
0x5e: {  	_ =	shalt  }
0x5f: {  	_ =	shalt  }
0x60: {  	_ =	shalt  }
0x61: {  	_ =	shalt  }
0x62: {  	_ =	shalt  }
0x63: {  	_ =	shalt  }
0x64: {  	_ =	shalt  }
0x65: {  	_ =	shalt  }
0x66: {  	_ =	shalt  }
0x67: {  	_ =	shalt  }
0x68: {  	_ =	shalt  }
0x69: {  	_ =	shalt  }
0x6a: {  	_ =	shalt  }
0x6b: {  	_ =	shalt  }
0x6c: {  	_ =	shalt  }
0x6d: {  	_ =	shalt  }
0x6e: {  	_ =	shalt  }
0x6f: {  	_ =	shalt  }
0x70: {  	_ =	shalt  }
0x71: {  	_ =	shalt  }
0x72: {  	_ =	shalt  }
0x73: {  	_ =	shalt  }
0x74: {  	_ =	shalt  }
0x75: {  	_ =	shalt  }
0x76: {  	_ =	shalt  }
0x77: {  	_ =	shalt  }
0x78: {  	_ =	shalt  }
0x79: {  	_ =	shalt  }
0x7a: {  	_ =	shalt  }
0x7b: {  	_ =	shalt  }
0x7c: {  	_ =	shalt  }
0x7d: {  	_ =	shalt  }
0x7e: {  	_ =	shalt  }
0x7f: {  	_ =	shalt  }
0x80: {  	_ =	shalt  }
0x81: {  	_ =	shalt  }
0x82: {  	_ =	shalt  }
0x83: {  	_ =	shalt  }
0x84: {  	_ =	shalt  }
0x85: {  	_ =	shalt  }
0x86: {  	_ =	shalt  }
0x87: {  	_ =	shalt  }
.Lfunc_end0:
.L_simem_size_0:
called_computation_lowered:
.L_overlay_start_0:
0x88: {  	s2 =	sld [smem:$0x3FD9]  }
0x89: {  	s3 =	sld [smem:$0x3FFE];
	_ =	sdelay $0x1  }
0x8a: {  	s1 =	srdreg.scid  }
0x8b: {  	s0 =	sand.u32 $0x1, s1  }
0x8c: {  	s17 =	sshll.u32 s0, $0xA;
	s2 =	sadd.s32 s3, s2  }
0x8d: {  	s2 =	sadd.s32 s2, s17  }
0x8e: {  	[smem:$0x3FC3] =	sst s2  }
0x8f: {  	_ = 	snop  }
0x90: {  	s2 =	sld [smem:$0x3FC9]  }
0x91: {  	s18 =	sld [smem:$0x3FC8]  }
0x92: {  	s4 =	sld [smem:$0x3FD0];
	(tm) =	ssettm $0x1  }
0x93: {  	s5 =	sld [smem:$0x3FFB];
	_ =	sdelay $0x3  }
0x94: {  	_ =	strace s5  }
0x95: {  	s5 =	sld [smem:$0x3FFC];
	_ =	sdelay $0x3  }
0x96: {  	_ =	strace s5  }
0x97: {  	s5 =	sld [smem:$0x3FFD];
	_ =	sdelay $0x3  }
0x98: {  	_ =	strace s5  }
0x99: {  	_ =	strace $0x8FFFFFFF  }
0x9a: {  	s19 =	sld [smem:$0x3FDB];
	_ =	sdelay $0x1  }
0x9b: {  	s6 =	simm.s32 $_scs_section_size  }
0x9c: {  	s7 =	simm.s32 $_size__tile_overlayer_lowered;
	s8 =	simm.s32 $_tile_overlayer_lowered  }
0x9d: {  	s22 =	simm.s32 $0x1BFF;
	s21 =	sshll.u32 s8, $0x1;
	s5 =	sadd.s32 s6, s19  }
0x9e: {  	s9 =	simm.s32 $0x0;
	s20 =	sshll.u32 s7, $0x1;
	s7 =	sadd.s32 s21, s5  }
0x9f: {  	[timem:s9], [sflag:s22] =	dma.local [hbm:s7], s20  }
0xa0: {  	_ =	swait.ge [sflag:s22], s20  }
0xa1: {  	s6 =	ssub.s32 $0x0, s20;
	[sflag:s22] =	ssyncset.done $0x0  }
0xa2: {  	[sflag:s22] =	ssyncadd.s32 s6;
	_ =	sdelay $0x1  }
0xa3: {  	s23 =	simm.s32 $0x1B8B  }
0xa4: {  	_ =	swait.ge [sflag:s23], $0x1  }
0xa5: {  	[sflag:s23] =	ssyncset.done $0x0  }
0xa6: {  	s25 =	simm.s32 $0x1B8E;
	s24 =	sld [smem:$0x3FFE];
	[sflag:s23] =	ssyncadd.s32 $0xFFFFFFFF  }
0xa7: {  	s26 =	simm.s32 $execute0_lowered;
	[smem:$0x3FD2] =	sst s25  }
0xa8: {  	s7 =	sshll.u32 s26, $0x1;
	_ =	strace $0x80000046;
	[dreg:$0x1] =	wrdreg $0xFFFFFFFF  }
0xa9: {  	s28 =	simm.s32 $_size_execute0_lowered;
	s5 =	sadd.s32 s5, s7;
	[dreg:$0x0] =	wrdreg $0x0  }
0xaa: {  	s7 =	sshll.u32 s28, $0x1;
	[dreg:$0x2] =	wrdreg s5  }
0xab: {  	[dreg:$0x3] =	wrdreg s7  }
0xac: {  	[dreg:$0x4] =	wrdreg $0xC0  }
0xad: {  	_ =	task [dreg:s9], $0x5FFFF  }
0xae: {  	[dreg:$0x1] =	wrdreg $0xFFFFFFFF  }
0xaf: {  	[dreg:$0x0] =	wrdreg $0x60  }
0xb0: {  	[dreg:$0x2] =	wrdreg s24  }
0xb1: {  	[dreg:$0x3] =	wrdreg s2  }
0xb2: {  	[dreg:$0x4] =	wrdreg s18  }
0xb3: {  	[dreg:$0x5] =	wrdreg s4  }
0xb4: {  	[dreg:$0x6] =	wrdreg $0x9  }
0xb5: {  	_ =	task.clear_ibuf [dreg:s9], $0x7FFFF;
	_ =	strace $0x90000046  }
0xb6: {  	s29 =	simm.s32 $0x9;
	_ =	strace $0x80000048  }
0xb7: {  	_ =	swait.ge [sflag:s29], $0x1  }
0xb8: {  	[sflag:s29] =	ssyncadd.s32 $0xFFFFFFFF  }
0xb9: {  	_ =	strace $0x90000048  }
0xba: {  	_ =	sfence  }
0xbb: {  	s30 =	sld [smem:$0x0];
	_ =	sdelay $0x2  }
0xbc: {  	s31 =	sshll.u32 s1, $0xD;
	s1 =	sshrl.u32 s1, $0x2  }
0xbd: {  	s3 =	sand.u32 $0x4000, s31;
	s1 =	sadd.s32 s1, s30  }
0xbe: {  	s0 =	sor.u32 s3, s0;
	s1 =	sshll.u32 s1, $0x11  }
0xbf: {  	s0 =	sor.u32 s1, s0  }
0xc0: {  	s0 =	sadd.s32 $0x8F2B, s0  }
0xc1: {  	[sflag:s0] =	ssyncadd.remote.s32 $0x1  }
0xc2: {  	_ =	sfence.sel $0xFFFF  }
0xc3: {  	[dreg:$0x0] =	wrdreg $0xFFFFFFFF;
	(pc) =	sbr.abs _section_cstart, $3  }
0xc4: {  	[dreg:$0x1] =	wrdreg $0xFFFFFFFF  }
0xc5: {  	_ =	task.clear_ibuf [dreg:s9], $0x2FFFF;
	_ =	strace $0x9FFFFFFF  }
0xc6: {  	(tm) =	ssettm $0x7FFFFFFF  }
0xc7: {  	_ =	shalt  }
tec
execute0_lowered:
.L_overlay_start_1:
0x0: {  	(tag) =	ssettag $0x1  }
0x1: {  	s0 =	rddreg [dreg:$0x0]  }
0x2: {  	s2 =	rddreg [dreg:$0x1]  }
0x3: {  	s7 =	rddreg [dreg:$0x2]  }
0x4: {  	s8 =	rddreg [dreg:$0x3];
	s1 =	simm.s32 $0x0;
	s4 =	srdreg.scid  }
0x5: {  	s5 =	stileid.u32;
	s11 =	simm.s32 $0x200;
	s13 =	simm.s32 $0x80  }
0x6: {  	s14 =	simm.s32 $0x400;
	s15 =	simm.s32 $0x4400;
	s17 =	simm.s32 $0x280  }
0x7: {  	s21 =	simm.s32 $0x100;
	s23 =	simm.s32 $0x300;
	s28 =	simm.s32 $0x180  }
0x8: {  	s29 =	simm.s32 $0x3400;
	s30 =	simm.s32 $0x380;
	s31 =	simm.s32 $0x7400  }
0x9: {  	s12 =	simm.s32 $0x1;
	s16 =	simm.s32 $0x2;
	s18 =	simm.s32 $0x8810  }
0xa: {  	s19 =	simm.s32 $0x0;
	[smem:$0x7FF] =	sst s1;
	s3 =	sadd.s32 $0xF42600, s0  }
0xb: {  	s4 =	sand.u32 $0x1, s4;
	s5 =	sshll.u32 s5, $0x7;
	_ =	strace $0x80000047  }
0xc: {  	s6 =	ssub.s32 $0x2, s4;
	s9 =	sshll.u32 s4, $0x6;
	s4 =	sadd.s32 $0x200, s0  }
0xd: {  	s10 =	sshrl.u32 s6, $0x1;
	s9 =	sor.u32 s9, s5;
	s5 =	sadd.s32 $0x1EC00, s0  }
0xe: {  	s0 =	simm.s32 $0x8580;
	s26 =	ssub.s32 s6, s10;
	s6 =	sadd.s32 s2, s9  }
0xf: {  	v0 =	vlaneseq.u32;
	s7 =	sadd.s32 s7, s9;
	s8 =	sadd.s32 s8, s9;
	s10 =	simm.s32 $0x3  }
0x10: {  	v0 =	vmul.u32 $0x20, v0;
	s2 =	simm.s32 $0x8780;
	s9 =	smax.u32 s26, $0x1;
	s26 =	simm.s32 $0x8700  }
.LBB2_1:
0x11: {  	[tilespmem:s1], [sflag:$0x3] =	stream.linear.gather [hbm4b:s6+s1], $0x200, $0x38;
	[tilespmem:$0x8A10] =	vst v63  }
0x12: {  	_ =	swait.ge [sflag:s10], $0x200  }
0x13: {  	[sflag:s10] =	ssyncset.done $0x0  }
0x14: {  	[sflag:s10] =	ssyncadd.s32 $0xFFFFFE00  }
0x15: {  	[tilespmem:s11], [sflag:$0x3] =	stream.linear.gather [hbm4b:s7+s1], $0x200, $0x38;
	[tilespmem:$0x8A10] =	vst v63  }
0x16: {  	_ =	swait.ge [sflag:s10], $0x200  }
0x17: {  	[sflag:s10] =	ssyncset.done $0x0  }
0x18: {  	s20 =	simm.s32 $0x8800;
	[sflag:s10] =	ssyncadd.s32 $0xFFFFFE00  }
0x19: {  	[tilespmem:s20], [sflag:$0x3] =	stream.linear.gather [hbm4b:s5+s1], $0x10, $0x38;
	[tilespmem:$0x8A10] =	vst v63  }
0x1a: {  	_ =	swait.ge [sflag:s10], $0x10  }
0x1b: {  	[sflag:s10] =	ssyncset.done $0x0  }
0x1c: {  	[sflag:s10] =	ssyncadd.s32 $0xFFFFFFF0  }
0x1d: {  	[tilespmem:s14], [sflag:$0x1] =	stream.indirect.gather [hbm4b:s3+s13], $0x20, s1, s13, $0xb8;
	[tilespmem:$0x8A10] =	vst v63  }
0x1e: {  	_ = 	snop  }
0x1f: {  	[tilespmem:s15], [sflag:$0x1] =	stream.indirect.gather [hbm4b:s3+s13], $0x20, s11, s13, $0xb8;
	[tilespmem:$0x8A10] =	vst v63  }
0x20: {  	s20 =	simm.s32 $0x8400  }
0x21: {  	[tilespmem:s20], [sflag:$0x2] =	stream.indirect.gather [hbm4b:s4+s13], $0x1, s1, s13, $0xb8;
	[tilespmem:$0x8A10] =	vst v63  }
0x22: {  	s22 =	simm.s32 $0x8600  }
0x23: {  	[tilespmem:s22], [sflag:$0x2] =	stream.indirect.gather [hbm4b:s4+s13], $0x1, s11, s13, $0xb8;
	[tilespmem:$0x8A10] =	vst v63  }
0x24: {  	s24 =	simm.s32 $0x1400  }
0x25: {  	[tilespmem:s24], [sflag:$0x1] =	stream.indirect.gather [hbm4b:s3+s13], $0x20, s13, s13, $0xb8;
	[tilespmem:$0x8A10] =	vst v63  }
0x26: {  	s25 =	simm.s32 $0x5400  }
0x27: {  	[tilespmem:s25], [sflag:$0x1] =	stream.indirect.gather [hbm4b:s3+s13], $0x20, s17, s13, $0xb8;
	[tilespmem:$0x8A10] =	vst v63  }
0x28: {  	s25 =	simm.s32 $0x8480  }
0x29: {  	[tilespmem:s25], [sflag:$0x2] =	stream.indirect.gather [hbm4b:s4+s13], $0x1, s13, s13, $0xb8;
	[tilespmem:$0x8A10] =	vst v63  }
0x2a: {  	s25 =	simm.s32 $0x8680  }
0x2b: {  	[tilespmem:s25], [sflag:$0x2] =	stream.indirect.gather [hbm4b:s4+s13], $0x1, s17, s13, $0xb8;
	[tilespmem:$0x8A10] =	vst v63  }
0x2c: {  	s25 =	simm.s32 $0x2400  }
0x2d: {  	[tilespmem:s25], [sflag:$0x1] =	stream.indirect.gather [hbm4b:s3+s13], $0x20, s21, s13, $0xb8;
	[tilespmem:$0x8A10] =	vst v63  }
0x2e: {  	s25 =	simm.s32 $0x6400  }
0x2f: {  	[tilespmem:s25], [sflag:$0x1] =	stream.indirect.gather [hbm4b:s3+s13], $0x20, s23, s13, $0xb8;
	[tilespmem:$0x8A10] =	vst v63  }
0x30: {  	s25 =	simm.s32 $0x8500  }
0x31: {  	[tilespmem:s25], [sflag:$0x2] =	stream.indirect.gather [hbm4b:s4+s13], $0x1, s21, s13, $0xb8;
	[tilespmem:$0x8A10] =	vst v63  }
0x32: {  	_ = 	snop  }
0x33: {  	[tilespmem:s26], [sflag:$0x2] =	stream.indirect.gather [hbm4b:s4+s13], $0x1, s23, s13, $0xb8;
	[tilespmem:$0x8A10] =	vst v63  }
0x34: {  	_ = 	snop  }
0x35: {  	[tilespmem:s29], [sflag:$0x1] =	stream.indirect.gather [hbm4b:s3+s13], $0x20, s28, s13, $0xb8;
	[tilespmem:$0x8A10] =	vst v63  }
0x36: {  	_ = 	snop  }
0x37: {  	[tilespmem:s31], [sflag:$0x1] =	stream.indirect.gather [hbm4b:s3+s13], $0x20, s30, s13, $0xb8;
	[tilespmem:$0x8A10] =	vst v63  }
0x38: {  	_ = 	snop  }
0x39: {  	[tilespmem:s0], [sflag:$0x2] =	stream.indirect.gather [hbm4b:s4+s13], $0x1, s28, s13, $0xb8;
	[tilespmem:$0x8A10] =	vst v63  }
0x3a: {  	_ = 	snop  }
0x3b: {  	[tilespmem:s2], [sflag:$0x2] =	stream.indirect.gather [hbm4b:s4+s13], $0x1, s30, s13, $0xb8;
	[tilespmem:$0x8A10] =	vst v63  }
0x3c: {  	_ =	swait.ge [sflag:s12], $0x1000  }
0x3d: {  	[sflag:s12] =	ssyncset.done $0x0  }
0x3e: {  	[sflag:s12] =	ssyncadd.s32 $0xFFFFF000  }
0x3f: {  	_ =	swait.ge [sflag:s12], $0x1000  }
0x40: {  	[sflag:s12] =	ssyncset.done $0x0  }
0x41: {  	[sflag:s12] =	ssyncadd.s32 $0xFFFFF000  }
0x42: {  	_ =	swait.ge [sflag:s16], $0x80  }
0x43: {  	[sflag:s16] =	ssyncset.done $0x0  }
0x44: {  	[sflag:s16] =	ssyncadd.s32 $0xFFFFFF80  }
0x45: {  	_ =	swait.ge [sflag:s16], $0x80  }
0x46: {  	[sflag:s16] =	ssyncset.done $0x0  }
0x47: {  	[sflag:s16] =	ssyncadd.s32 $0xFFFFFF80  }
0x48: {  	_ =	swait.ge [sflag:s12], $0x1000  }
0x49: {  	[sflag:s12] =	ssyncset.done $0x0  }
0x4a: {  	[sflag:s12] =	ssyncadd.s32 $0xFFFFF000  }
0x4b: {  	_ =	swait.ge [sflag:s12], $0x1000  }
0x4c: {  	[sflag:s12] =	ssyncset.done $0x0  }
0x4d: {  	[sflag:s12] =	ssyncadd.s32 $0xFFFFF000  }
0x4e: {  	_ =	swait.ge [sflag:s16], $0x80  }
0x4f: {  	[sflag:s16] =	ssyncset.done $0x0  }
0x50: {  	[sflag:s16] =	ssyncadd.s32 $0xFFFFFF80  }
0x51: {  	_ =	swait.ge [sflag:s16], $0x80  }
0x52: {  	[sflag:s16] =	ssyncset.done $0x0  }
0x53: {  	[sflag:s16] =	ssyncadd.s32 $0xFFFFFF80  }
0x54: {  	_ =	swait.ge [sflag:s12], $0x1000  }
0x55: {  	[sflag:s12] =	ssyncset.done $0x0  }
0x56: {  	[sflag:s12] =	ssyncadd.s32 $0xFFFFF000  }
0x57: {  	_ =	swait.ge [sflag:s12], $0x1000  }
0x58: {  	[sflag:s12] =	ssyncset.done $0x0  }
0x59: {  	[sflag:s12] =	ssyncadd.s32 $0xFFFFF000  }
0x5a: {  	_ =	swait.ge [sflag:s16], $0x80  }
0x5b: {  	[sflag:s16] =	ssyncset.done $0x0  }
0x5c: {  	[sflag:s16] =	ssyncadd.s32 $0xFFFFFF80  }
0x5d: {  	_ =	swait.ge [sflag:s16], $0x80  }
0x5e: {  	[sflag:s16] =	ssyncset.done $0x0  }
0x5f: {  	[sflag:s16] =	ssyncadd.s32 $0xFFFFFF80  }
0x60: {  	_ =	swait.ge [sflag:s12], $0x1000  }
0x61: {  	[sflag:s12] =	ssyncset.done $0x0  }
0x62: {  	[sflag:s12] =	ssyncadd.s32 $0xFFFFF000  }
0x63: {  	_ =	swait.ge [sflag:s12], $0x1000  }
0x64: {  	v1 =	vmov s1;
	[sflag:s12] =	ssyncset.done $0x0  }
0x65: {  	v1 =	vshll.u32 v1, $0x5;
	[sflag:s12] =	ssyncadd.s32 $0xFFFFF000  }
0x66: {  	v1 =	vor.u32 v0, v1;
	_ =	swait.ge [sflag:s16], $0x80  }
0x67: {  	v2 =	vor.u32 $0x1, v1;
	[sflag:s16] =	ssyncset.done $0x0  }
0x68: {  	[sflag:s16] =	ssyncadd.s32 $0xFFFFFF80  }
0x69: {  	_ =	swait.ge [sflag:s16], $0x80  }
0x6a: {  	[sflag:s16] =	ssyncset.done $0x0  }
0x6b: {  	v3 =	vor.u32 $0x2, v1;
	[sflag:s16] =	ssyncadd.s32 $0xFFFFFF80  }
0x6c: {  	v4 =	vld.idx.msk [tilespmem:v2+s15+$0x0], $0xffff  }
0x6d: {  	v5 =	vor.u32 $0x3, v1;
	v2 =	vld.idx.msk [tilespmem:v2+s14+$0x0], $0xffff  }
0x6e: {  	v6 =	vld.idx.msk [tilespmem:v1+s15+$0x0], $0xffff  }
0x6f: {  	v8 =	vor.u32 $0x4, v1;
	v7 =	vld.idx.msk [tilespmem:v1+s14+$0x0], $0xffff  }
0x70: {  	v9 =	vld.idx.msk [tilespmem:v3+s15+$0x0], $0xffff  }
0x71: {  	v10 =	vor.u32 $0x5, v1;
	v3 =	vld.idx.msk [tilespmem:v3+s14+$0x0], $0xffff  }
0x72: {  	v11 =	vld.idx.msk [tilespmem:v5+s15+$0x0], $0xffff  }
0x73: {  	v12 =	vor.u32 $0x6, v1;
	v5 =	vld.idx.msk [tilespmem:v5+s14+$0x0], $0xffff  }
0x74: {  	v13 =	vld.idx.msk [tilespmem:v8+s15+$0x0], $0xffff;
	v6 =	vsub.f32 v7, v6;
	v2 =	vsub.f32 v2, v4  }
0x75: {  	v4 =	vld.idx.msk [tilespmem:v8+s14+$0x0], $0xffff;
	v7 =	vor.u32 $0x7, v1  }
0x76: {  	v20 =	vld.idx.msk [tilespmem:v10+s15+$0x0], $0xffff;
	v3 =	vsub.f32 v3, v9;
	v6 =	vmul.f32 v6, v6;
	v2 =	vmul.f32 v2, v2  }
0x77: {  	v21 =	vor.u32 $0x8, v1;
	v10 =	vld.idx.msk [tilespmem:v10+s14+$0x0], $0xffff  }
0x78: {  	v14 =	vld.idx.msk [tilespmem:v12+s15+$0x0], $0xffff;
	v5 =	vsub.f32 v5, v11;
	v3 =	vmul.f32 v3, v3;
	v2 =	vadd.f32 v2, v6  }
0x79: {  	v22 =	vld.idx.msk [tilespmem:v12+s14+$0x0], $0xffff;
	v6 =	vor.u32 $0x9, v1  }
0x7a: {  	v23 =	vld.idx.msk [tilespmem:v7+s15+$0x0], $0xffff;
	v4 =	vsub.f32 v4, v13;
	v2 =	vadd.f32 v3, v2;
	v3 =	vmul.f32 v5, v5  }
0x7b: {  	v7 =	vld.idx.msk [tilespmem:v7+s14+$0x0], $0xffff;
	v5 =	vor.u32 $0xA, v1  }
0x7c: {  	v24 =	vld.idx.msk [tilespmem:v21+s15+$0x0], $0xffff;
	v2 =	vadd.f32 v3, v2;
	v3 =	vmul.f32 v4, v4;
	v4 =	vsub.f32 v10, v20  }
0x7d: {  	v25 =	vor.u32 $0xB, v1;
	v9 =	vld.idx.msk [tilespmem:v21+s14+$0x0], $0xffff  }
0x7e: {  	v26 =	vld.idx.msk [tilespmem:v6+s15+$0x0], $0xffff;
	v2 =	vadd.f32 v3, v2;
	v3 =	vmul.f32 v4, v4;
	v4 =	vsub.f32 v22, v14  }
0x7f: {  	v27 =	vor.u32 $0xC, v1;
	v6 =	vld.idx.msk [tilespmem:v6+s14+$0x0], $0xffff  }
0x80: {  	v28 =	vld.idx.msk [tilespmem:v5+s15+$0x0], $0xffff;
	v2 =	vadd.f32 v3, v2;
	v3 =	vmul.f32 v4, v4;
	v4 =	vsub.f32 v7, v23  }
0x81: {  	v5 =	vld.idx.msk [tilespmem:v5+s14+$0x0], $0xffff;
	v7 =	vor.u32 $0xD, v1  }
0x82: {  	v29 =	vld.idx.msk [tilespmem:v25+s15+$0x0], $0xffff;
	v2 =	vadd.f32 v3, v2;
	v3 =	vmul.f32 v4, v4;
	v4 =	vsub.f32 v9, v24  }
0x83: {  	v30 =	vor.u32 $0xE, v1;
	v8 =	vld.idx.msk [tilespmem:v25+s14+$0x0], $0xffff  }
0x84: {  	v31 =	vld.idx.msk [tilespmem:v27+s15+$0x0], $0xffff;
	v2 =	vadd.f32 v3, v2;
	v3 =	vmul.f32 v4, v4;
	v4 =	vsub.f32 v6, v26  }
0x85: {  	v32 =	vld.idx.msk [tilespmem:v27+s14+$0x0], $0xffff;
	v6 =	vor.u32 $0xF, v1  }
0x86: {  	v33 =	vld.idx.msk [tilespmem:v7+s15+$0x0], $0xffff;
	v2 =	vadd.f32 v3, v2;
	v3 =	vmul.f32 v4, v4;
	v4 =	vsub.f32 v5, v28  }
0x87: {  	v7 =	vld.idx.msk [tilespmem:v7+s14+$0x0], $0xffff;
	v5 =	vor.u32 $0x10, v1  }
0x88: {  	v34 =	vld.idx.msk [tilespmem:v30+s15+$0x0], $0xffff;
	v2 =	vadd.f32 v3, v2;
	v3 =	vmul.f32 v4, v4;
	v4 =	vsub.f32 v8, v29  }
0x89: {  	v35 =	vor.u32 $0x11, v1;
	v9 =	vld.idx.msk [tilespmem:v30+s14+$0x0], $0xffff  }
0x8a: {  	v36 =	vld.idx.msk [tilespmem:v6+s15+$0x0], $0xffff;
	v2 =	vadd.f32 v3, v2;
	v3 =	vmul.f32 v4, v4;
	v4 =	vsub.f32 v32, v31  }
0x8b: {  	v37 =	vor.u32 $0x12, v1;
	v6 =	vld.idx.msk [tilespmem:v6+s14+$0x0], $0xffff  }
0x8c: {  	v38 =	vld.idx.msk [tilespmem:v5+s15+$0x0], $0xffff;
	v2 =	vadd.f32 v3, v2;
	v3 =	vmul.f32 v4, v4;
	v4 =	vsub.f32 v7, v33  }
0x8d: {  	v5 =	vld.idx.msk [tilespmem:v5+s14+$0x0], $0xffff;
	v7 =	vor.u32 $0x13, v1  }
0x8e: {  	v39 =	vld.idx.msk [tilespmem:v35+s15+$0x0], $0xffff;
	v2 =	vadd.f32 v3, v2;
	v3 =	vmul.f32 v4, v4;
	v4 =	vsub.f32 v9, v34  }
0x8f: {  	v40 =	vor.u32 $0x14, v1;
	v8 =	vld.idx.msk [tilespmem:v35+s14+$0x0], $0xffff  }
0x90: {  	v41 =	vld.idx.msk [tilespmem:v37+s15+$0x0], $0xffff;
	v2 =	vadd.f32 v3, v2;
	v3 =	vmul.f32 v4, v4;
	v4 =	vsub.f32 v6, v36  }
0x91: {  	v10 =	vld.idx.msk [tilespmem:v37+s14+$0x0], $0xffff;
	v6 =	vor.u32 $0x15, v1  }
0x92: {  	v42 =	vld.idx.msk [tilespmem:v7+s15+$0x0], $0xffff;
	v2 =	vadd.f32 v3, v2;
	v3 =	vmul.f32 v4, v4;
	v4 =	vsub.f32 v5, v38  }
0x93: {  	v7 =	vld.idx.msk [tilespmem:v7+s14+$0x0], $0xffff;
	v5 =	vor.u32 $0x16, v1  }
0x94: {  	v43 =	vld.idx.msk [tilespmem:v40+s15+$0x0], $0xffff;
	v2 =	vadd.f32 v3, v2;
	v3 =	vmul.f32 v4, v4;
	v4 =	vsub.f32 v8, v39  }
0x95: {  	v44 =	vor.u32 $0x17, v1;
	v9 =	vld.idx.msk [tilespmem:v40+s14+$0x0], $0xffff  }
0x96: {  	v45 =	vld.idx.msk [tilespmem:v6+s15+$0x0], $0xffff;
	v2 =	vadd.f32 v3, v2;
	v3 =	vmul.f32 v4, v4;
	v4 =	vsub.f32 v10, v41  }
0x97: {  	v46 =	vor.u32 $0x18, v1;
	v6 =	vld.idx.msk [tilespmem:v6+s14+$0x0], $0xffff  }
0x98: {  	v47 =	vld.idx.msk [tilespmem:v5+s15+$0x0], $0xffff;
	v2 =	vadd.f32 v3, v2;
	v3 =	vmul.f32 v4, v4;
	v4 =	vsub.f32 v7, v42  }
0x99: {  	v5 =	vld.idx.msk [tilespmem:v5+s14+$0x0], $0xffff;
	v7 =	vor.u32 $0x19, v1  }
0x9a: {  	v48 =	vld.idx.msk [tilespmem:v44+s15+$0x0], $0xffff;
	v2 =	vadd.f32 v3, v2;
	v3 =	vmul.f32 v4, v4;
	v4 =	vsub.f32 v9, v43  }
0x9b: {  	v49 =	vor.u32 $0x1A, v1;
	v8 =	vld.idx.msk [tilespmem:v44+s14+$0x0], $0xffff  }
0x9c: {  	v50 =	vld.idx.msk [tilespmem:v46+s15+$0x0], $0xffff;
	v2 =	vadd.f32 v3, v2;
	v3 =	vmul.f32 v4, v4;
	v4 =	vsub.f32 v6, v45  }
0x9d: {  	v10 =	vld.idx.msk [tilespmem:v46+s14+$0x0], $0xffff;
	v6 =	vor.u32 $0x1B, v1  }
0x9e: {  	v51 =	vld.idx.msk [tilespmem:v7+s15+$0x0], $0xffff;
	v2 =	vadd.f32 v3, v2;
	v3 =	vmul.f32 v4, v4;
	v4 =	vsub.f32 v5, v47  }
0x9f: {  	v7 =	vld.idx.msk [tilespmem:v7+s14+$0x0], $0xffff;
	v5 =	vor.u32 $0x1C, v1  }
0xa0: {  	v52 =	vld.idx.msk [tilespmem:v49+s15+$0x0], $0xffff;
	v2 =	vadd.f32 v3, v2;
	v3 =	vmul.f32 v4, v4;
	v4 =	vsub.f32 v8, v48  }
0xa1: {  	v53 =	vor.u32 $0x1D, v1;
	v9 =	vld.idx.msk [tilespmem:v49+s14+$0x0], $0xffff  }
0xa2: {  	v54 =	vld.idx.msk [tilespmem:v6+s15+$0x0], $0xffff;
	v2 =	vadd.f32 v3, v2;
	v3 =	vmul.f32 v4, v4;
	v4 =	vsub.f32 v10, v50  }
0xa3: {  	v55 =	vor.u32 $0x1E, v1;
	v6 =	vld.idx.msk [tilespmem:v6+s14+$0x0], $0xffff  }
0xa4: {  	v56 =	vld.idx.msk [tilespmem:v5+s15+$0x0], $0xffff;
	v2 =	vadd.f32 v3, v2;
	v3 =	vmul.f32 v4, v4;
	v4 =	vsub.f32 v7, v51  }
0xa5: {  	v1 =	vor.u32 $0x1F, v1;
	v5 =	vld.idx.msk [tilespmem:v5+s14+$0x0], $0xffff  }
0xa6: {  	v8 =	vld.idx.msk [tilespmem:v53+s14+$0x0], $0xffff;
	v2 =	vadd.f32 v3, v2;
	v3 =	vmul.f32 v4, v4;
	v4 =	vsub.f32 v9, v52  }
0xa7: {  	v7 =	vld.idx.msk [tilespmem:v53+s15+$0x0], $0xffff  }
0xa8: {  	v57 =	vld.idx.msk [tilespmem:v55+s15+$0x0], $0xffff;
	v2 =	vadd.f32 v3, v2;
	v3 =	vmul.f32 v4, v4;
	v4 =	vsub.f32 v6, v54  }
0xa9: {  	v6 =	vld.idx.msk [tilespmem:v55+s14+$0x0], $0xffff  }
0xaa: {  	v58 =	vld.idx.msk [tilespmem:v1+s15+$0x0], $0xffff;
	v2 =	vadd.f32 v3, v2;
	v3 =	vmul.f32 v4, v4;
	v4 =	vsub.f32 v5, v56  }
0xab: {  	v1 =	vld.idx.msk [tilespmem:v1+s14+$0x0], $0xffff  }
0xac: {  	v2 =	vadd.f32 v3, v2;
	v3 =	vmul.f32 v4, v4;
	v4 =	vsub.f32 v8, v7;
	_ =	sdelay $0x1  }
0xad: {  	v2 =	vadd.f32 v3, v2;
	v3 =	vmul.f32 v4, v4;
	v4 =	vsub.f32 v6, v57;
	_ =	sdelay $0x1  }
0xae: {  	v1 =	vsub.f32 v1, v58;
	v2 =	vadd.f32 v3, v2;
	v3 =	vmul.f32 v4, v4;
	_ =	sdelay $0x1  }
0xaf: {  	v1 =	vmul.f32 v1, v1;
	v2 =	vadd.f32 v3, v2;
	_ =	sdelay $0x1  }
0xb0: {  	v2 =	vadd.f32 v1, v2;
	_ =	sdelay $0x1  }
0xb1: {  	v1 =	vshra.s32 v2, $0x1;
	v3 =	vmul.f32 $5.000000000e-01, v2  }
0xb2: {  	v1 =	vsub.s32 $0x5F3759DF, v1  }
0xb3: {  	v4 =	vmul.f32 v1, v3;
	_ =	sdelay $0x1  }
0xb4: {  	v4 =	vmul.f32 v1, v4;
	_ =	sdelay $0x1  }
0xb5: {  	v4 =	vsub.f32 $1.500000000e+00, v4;
	_ =	sdelay $0x1  }
0xb6: {  	v1 =	vmul.f32 v1, v4;
	_ =	sdelay $0x1  }
0xb7: {  	v4 =	vmul.f32 v1, v3;
	_ =	sdelay $0x1  }
0xb8: {  	v4 =	vmul.f32 v4, v1;
	_ =	sdelay $0x1  }
0xb9: {  	v4 =	vsub.f32 $1.500000000e+00, v4;
	_ =	sdelay $0x1  }
0xba: {  	v4 =	vmul.f32 v4, v1;
	_ =	sdelay $0x1  }
0xbb: {  	v1 =	vmul.f32 v4, v3;
	_ =	sdelay $0x1  }
0xbc: {  	v3 =	vmul.f32 v1, v4  }
0xbd: {  	v5 =	vld [tilespmem:s20+$0x0]  }
0xbe: {  	v6 =	vld [tilespmem:s22+$0x0];
	v3 =	vsub.f32 $1.500000000e+00, v3  }
0xbf: {  	v1 =	vld [tilespmem:$0x8800]  }
0xc0: {  	s24 =	simm.s32 $0x10;
	v3 =	vmul.f32 v3, v4  }
0xc1: {  	v4 =	vmov s24  }
0xc2: {  	v4 =	vshll.u32 v4, $0x5;
	v3 =	vmul.f32 v3, v2  }
0xc3: {  	v2 =	vor.u32 v0, v4  }
0xc4: {  	v5 =	vadd.f32 v6, v5;
	v4 =	vor.u32 $0x1, v2;
	v3 =	vmul.f32 v3, v1;
	_ =	sdelay $0x1  }
0xc5: {  	v3 =	vsub.f32 v5, v3;
	_ =	sdelay $0x1  }
0xc6: {  	v5 =	vor.u32 $0x2, v2;
	[tilespmem:s18+$0x0] =	vst v3  }
0xc7: {  	v3 =	vld.idx.msk [tilespmem:v4+s15+$0x0], $0xffff  }
0xc8: {  	v6 =	vor.u32 $0x3, v2;
	v4 =	vld.idx.msk [tilespmem:v4+s14+$0x0], $0xffff  }
0xc9: {  	v7 =	vld.idx.msk [tilespmem:v2+s15+$0x0], $0xffff  }
0xca: {  	v60 =	vor.u32 $0x4, v2;
	v59 =	vld.idx.msk [tilespmem:v2+s14+$0x0], $0xffff  }
0xcb: {  	v61 =	vld.idx.msk [tilespmem:v5+s15+$0x0], $0xffff  }
0xcc: {  	v62 =	vor.u32 $0x5, v2;
	v5 =	vld.idx.msk [tilespmem:v5+s14+$0x0], $0xffff  }
0xcd: {  	v63 =	vld.idx.msk [tilespmem:v6+s15+$0x0], $0xffff  }
0xce: {  	v18 =	vor.u32 $0x6, v2;
	v6 =	vld.idx.msk [tilespmem:v6+s14+$0x0], $0xffff  }
0xcf: {  	v19 =	vld.idx.msk [tilespmem:v60+s15+$0x0], $0xffff;
	v7 =	vsub.f32 v59, v7;
	v3 =	vsub.f32 v4, v3  }
0xd0: {  	v20 =	vor.u32 $0x7, v2;
	v4 =	vld.idx.msk [tilespmem:v60+s14+$0x0], $0xffff  }
0xd1: {  	v21 =	vld.idx.msk [tilespmem:v62+s15+$0x0], $0xffff;
	v7 =	vmul.f32 v7, v7;
	v3 =	vmul.f32 v3, v3;
	v5 =	vsub.f32 v5, v61  }
0xd2: {  	v22 =	vor.u32 $0x8, v2;
	v11 =	vld.idx.msk [tilespmem:v62+s14+$0x0], $0xffff  }
0xd3: {  	v15 =	vld.idx.msk [tilespmem:v18+s15+$0x0], $0xffff;
	v6 =	vsub.f32 v6, v63;
	v3 =	vadd.f32 v3, v7;
	v5 =	vmul.f32 v5, v5  }
0xd4: {  	v23 =	vld.idx.msk [tilespmem:v18+s14+$0x0], $0xffff;
	v7 =	vor.u32 $0x9, v2  }
0xd5: {  	v24 =	vld.idx.msk [tilespmem:v20+s15+$0x0], $0xffff;
	v4 =	vsub.f32 v4, v19;
	v3 =	vadd.f32 v5, v3;
	v5 =	vmul.f32 v6, v6  }
0xd6: {  	v8 =	vld.idx.msk [tilespmem:v20+s14+$0x0], $0xffff;
	v6 =	vor.u32 $0xA, v2  }
0xd7: {  	v25 =	vld.idx.msk [tilespmem:v22+s15+$0x0], $0xffff;
	v4 =	vmul.f32 v4, v4;
	v3 =	vadd.f32 v5, v3;
	v5 =	vsub.f32 v11, v21  }
0xd8: {  	v26 =	vor.u32 $0xB, v2;
	v10 =	vld.idx.msk [tilespmem:v22+s14+$0x0], $0xffff  }
0xd9: {  	v27 =	vld.idx.msk [tilespmem:v7+s15+$0x0], $0xffff;
	v3 =	vadd.f32 v4, v3;
	v4 =	vmul.f32 v5, v5;
	v5 =	vsub.f32 v23, v15  }
0xda: {  	v28 =	vor.u32 $0xC, v2;
	v7 =	vld.idx.msk [tilespmem:v7+s14+$0x0], $0xffff  }
0xdb: {  	v29 =	vld.idx.msk [tilespmem:v6+s15+$0x0], $0xffff;
	v3 =	vadd.f32 v4, v3;
	v4 =	vmul.f32 v5, v5;
	v5 =	vsub.f32 v8, v24  }
0xdc: {  	v30 =	vor.u32 $0xD, v2;
	v6 =	vld.idx.msk [tilespmem:v6+s14+$0x0], $0xffff  }
0xdd: {  	v31 =	vld.idx.msk [tilespmem:v26+s15+$0x0], $0xffff;
	v3 =	vadd.f32 v4, v3;
	v4 =	vmul.f32 v5, v5;
	v5 =	vsub.f32 v10, v25  }
0xde: {  	v32 =	vor.u32 $0xE, v2;
	v9 =	vld.idx.msk [tilespmem:v26+s14+$0x0], $0xffff  }
0xdf: {  	v33 =	vld.idx.msk [tilespmem:v28+s15+$0x0], $0xffff;
	v3 =	vadd.f32 v4, v3;
	v4 =	vmul.f32 v5, v5;
	v5 =	vsub.f32 v7, v27  }
0xe0: {  	v34 =	vld.idx.msk [tilespmem:v28+s14+$0x0], $0xffff;
	v7 =	vor.u32 $0xF, v2  }
0xe1: {  	v35 =	vld.idx.msk [tilespmem:v30+s15+$0x0], $0xffff;
	v3 =	vadd.f32 v4, v3;
	v4 =	vmul.f32 v5, v5;
	v5 =	vsub.f32 v6, v29  }
0xe2: {  	v8 =	vld.idx.msk [tilespmem:v30+s14+$0x0], $0xffff;
	v6 =	vor.u32 $0x10, v2  }
0xe3: {  	v36 =	vld.idx.msk [tilespmem:v32+s15+$0x0], $0xffff;
	v3 =	vadd.f32 v4, v3;
	v4 =	vmul.f32 v5, v5;
	v5 =	vsub.f32 v9, v31  }
0xe4: {  	v37 =	vor.u32 $0x11, v2;
	v10 =	vld.idx.msk [tilespmem:v32+s14+$0x0], $0xffff  }
0xe5: {  	v38 =	vld.idx.msk [tilespmem:v7+s15+$0x0], $0xffff;
	v3 =	vadd.f32 v4, v3;
	v4 =	vmul.f32 v5, v5;
	v5 =	vsub.f32 v34, v33  }
0xe6: {  	v39 =	vor.u32 $0x12, v2;
	v7 =	vld.idx.msk [tilespmem:v7+s14+$0x0], $0xffff  }
0xe7: {  	v40 =	vld.idx.msk [tilespmem:v6+s15+$0x0], $0xffff;
	v3 =	vadd.f32 v4, v3;
	v4 =	vmul.f32 v5, v5;
	v5 =	vsub.f32 v8, v35  }
0xe8: {  	v41 =	vor.u32 $0x13, v2;
	v6 =	vld.idx.msk [tilespmem:v6+s14+$0x0], $0xffff  }
0xe9: {  	v42 =	vld.idx.msk [tilespmem:v37+s15+$0x0], $0xffff;
	v3 =	vadd.f32 v4, v3;
	v4 =	vmul.f32 v5, v5;
	v5 =	vsub.f32 v10, v36  }
0xea: {  	v43 =	vor.u32 $0x14, v2;
	v9 =	vld.idx.msk [tilespmem:v37+s14+$0x0], $0xffff  }
0xeb: {  	v44 =	vld.idx.msk [tilespmem:v39+s15+$0x0], $0xffff;
	v3 =	vadd.f32 v4, v3;
	v4 =	vmul.f32 v5, v5;
	v5 =	vsub.f32 v7, v38  }
0xec: {  	v11 =	vld.idx.msk [tilespmem:v39+s14+$0x0], $0xffff;
	v7 =	vor.u32 $0x15, v2  }
0xed: {  	v45 =	vld.idx.msk [tilespmem:v41+s15+$0x0], $0xffff;
	v3 =	vadd.f32 v4, v3;
	v4 =	vmul.f32 v5, v5;
	v5 =	vsub.f32 v6, v40  }
0xee: {  	v8 =	vld.idx.msk [tilespmem:v41+s14+$0x0], $0xffff;
	v6 =	vor.u32 $0x16, v2  }
0xef: {  	v46 =	vld.idx.msk [tilespmem:v43+s15+$0x0], $0xffff;
	v3 =	vadd.f32 v4, v3;
	v4 =	vmul.f32 v5, v5;
	v5 =	vsub.f32 v9, v42  }
0xf0: {  	v47 =	vor.u32 $0x17, v2;
	v10 =	vld.idx.msk [tilespmem:v43+s14+$0x0], $0xffff  }
0xf1: {  	v48 =	vld.idx.msk [tilespmem:v7+s15+$0x0], $0xffff;
	v3 =	vadd.f32 v4, v3;
	v4 =	vmul.f32 v5, v5;
	v5 =	vsub.f32 v11, v44  }
0xf2: {  	v49 =	vor.u32 $0x18, v2;
	v7 =	vld.idx.msk [tilespmem:v7+s14+$0x0], $0xffff  }
0xf3: {  	v50 =	vld.idx.msk [tilespmem:v6+s15+$0x0], $0xffff;
	v3 =	vadd.f32 v4, v3;
	v4 =	vmul.f32 v5, v5;
	v5 =	vsub.f32 v8, v45  }
0xf4: {  	v51 =	vor.u32 $0x19, v2;
	v6 =	vld.idx.msk [tilespmem:v6+s14+$0x0], $0xffff  }
0xf5: {  	v52 =	vld.idx.msk [tilespmem:v47+s15+$0x0], $0xffff;
	v3 =	vadd.f32 v4, v3;
	v4 =	vmul.f32 v5, v5;
	v5 =	vsub.f32 v10, v46  }
0xf6: {  	v53 =	vor.u32 $0x1A, v2;
	v9 =	vld.idx.msk [tilespmem:v47+s14+$0x0], $0xffff  }
0xf7: {  	v54 =	vld.idx.msk [tilespmem:v49+s15+$0x0], $0xffff;
	v3 =	vadd.f32 v4, v3;
	v4 =	vmul.f32 v5, v5;
	v5 =	vsub.f32 v7, v48  }
0xf8: {  	v11 =	vld.idx.msk [tilespmem:v49+s14+$0x0], $0xffff;
	v7 =	vor.u32 $0x1B, v2  }
0xf9: {  	v55 =	vld.idx.msk [tilespmem:v51+s15+$0x0], $0xffff;
	v3 =	vadd.f32 v4, v3;
	v4 =	vmul.f32 v5, v5;
	v5 =	vsub.f32 v6, v50  }
0xfa: {  	v8 =	vld.idx.msk [tilespmem:v51+s14+$0x0], $0xffff;
	v6 =	vor.u32 $0x1C, v2  }
0xfb: {  	v56 =	vld.idx.msk [tilespmem:v53+s15+$0x0], $0xffff;
	v3 =	vadd.f32 v4, v3;
	v4 =	vmul.f32 v5, v5;
	v5 =	vsub.f32 v9, v52  }
0xfc: {  	v57 =	vor.u32 $0x1D, v2;
	v10 =	vld.idx.msk [tilespmem:v53+s14+$0x0], $0xffff  }
0xfd: {  	v58 =	vld.idx.msk [tilespmem:v7+s15+$0x0], $0xffff;
	v3 =	vadd.f32 v4, v3;
	v4 =	vmul.f32 v5, v5;
	v5 =	vsub.f32 v11, v54  }
0xfe: {  	v59 =	vor.u32 $0x1E, v2;
	v7 =	vld.idx.msk [tilespmem:v7+s14+$0x0], $0xffff  }
0xff: {  	v60 =	vld.idx.msk [tilespmem:v6+s15+$0x0], $0xffff;
	v3 =	vadd.f32 v4, v3;
	v4 =	vmul.f32 v5, v5;
	v5 =	vsub.f32 v8, v55  }
0x100: {  	v2 =	vor.u32 $0x1F, v2;
	v6 =	vld.idx.msk [tilespmem:v6+s14+$0x0], $0xffff  }
0x101: {  	v61 =	vld.idx.msk [tilespmem:v57+s15+$0x0], $0xffff;
	v3 =	vadd.f32 v4, v3;
	v4 =	vmul.f32 v5, v5;
	v5 =	vsub.f32 v10, v56  }
0x102: {  	v9 =	vld.idx.msk [tilespmem:v57+s14+$0x0], $0xffff  }
0x103: {  	v62 =	vld.idx.msk [tilespmem:v59+s15+$0x0], $0xffff;
	v3 =	vadd.f32 v4, v3;
	v4 =	vmul.f32 v5, v5;
	v5 =	vsub.f32 v7, v58  }
0x104: {  	v7 =	vld.idx.msk [tilespmem:v59+s14+$0x0], $0xffff  }
0x105: {  	v63 =	vld.idx.msk [tilespmem:v2+s15+$0x0], $0xffff;
	v3 =	vadd.f32 v4, v3;
	v4 =	vmul.f32 v5, v5;
	v5 =	vsub.f32 v6, v60  }
0x106: {  	v2 =	vld.idx.msk [tilespmem:v2+s14+$0x0], $0xffff  }
0x107: {  	v3 =	vadd.f32 v4, v3;
	v4 =	vmul.f32 v5, v5;
	v5 =	vsub.f32 v9, v61;
	_ =	sdelay $0x1  }
0x108: {  	v3 =	vadd.f32 v4, v3;
	v4 =	vmul.f32 v5, v5;
	v5 =	vsub.f32 v7, v62;
	_ =	sdelay $0x1  }
0x109: {  	v2 =	vsub.f32 v2, v63;
	v3 =	vadd.f32 v4, v3;
	v4 =	vmul.f32 v5, v5;
	_ =	sdelay $0x1  }
0x10a: {  	v2 =	vmul.f32 v2, v2;
	v3 =	vadd.f32 v4, v3;
	_ =	sdelay $0x1  }
0x10b: {  	v2 =	vadd.f32 v2, v3;
	_ =	sdelay $0x1  }
0x10c: {  	v3 =	vshra.s32 v2, $0x1;
	v4 =	vmul.f32 $5.000000000e-01, v2  }
0x10d: {  	v3 =	vsub.s32 $0x5F3759DF, v3  }
0x10e: {  	v5 =	vmul.f32 v3, v4;
	_ =	sdelay $0x1  }
0x10f: {  	v5 =	vmul.f32 v3, v5;
	_ =	sdelay $0x1  }
0x110: {  	v5 =	vsub.f32 $1.500000000e+00, v5;
	_ =	sdelay $0x1  }
0x111: {  	v3 =	vmul.f32 v3, v5;
	_ =	sdelay $0x1  }
0x112: {  	v5 =	vmul.f32 v3, v4;
	_ =	sdelay $0x1  }
0x113: {  	v5 =	vmul.f32 v5, v3;
	_ =	sdelay $0x1  }
0x114: {  	v5 =	vsub.f32 $1.500000000e+00, v5;
	_ =	sdelay $0x1  }
0x115: {  	v3 =	vmul.f32 v5, v3;
	_ =	sdelay $0x1  }
0x116: {  	v4 =	vmul.f32 v3, v4;
	_ =	sdelay $0x1  }
0x117: {  	v4 =	vmul.f32 v4, v3  }
0x118: {  	s22 =	simm.s32 $0x8610  }
0x119: {  	s20 =	simm.s32 $0x8410;
	v6 =	vld [tilespmem:s22+$0x0];
	v4 =	vsub.f32 $1.500000000e+00, v4  }
0x11a: {  	v5 =	vld [tilespmem:s20+$0x0]  }
0x11b: {  	s25 =	simm.s32 $0x20;
	v3 =	vmul.f32 v4, v3  }
0x11c: {  	v4 =	vmov s25  }
0x11d: {  	v4 =	vshll.u32 v4, $0x5;
	v7 =	vmul.f32 v3, v2  }
0x11e: {  	v2 =	vor.u32 v0, v4  }
0x11f: {  	s24 =	simm.s32 $0x30;
	s25 =	simm.s32 $0x8810;
	v4 =	vadd.f32 v6, v5;
	v3 =	vor.u32 $0x1, v2;
	v5 =	vmul.f32 v7, v1  }
.LBB2_2:
0x120: {  	p0 =	sne.s32 s24, $0x1F0  }
0x121: {  	v4 =	vsub.f32 v4, v5  }
0x122: {  	s25 =	sadd.s32 $0x10, s25  }
0x123: {  	v5 =	vor.u32 $0x2, v2;
	[tilespmem:s25+$0x0] =	vst v4  }
0x124: {  	v4 =	vld.idx.msk [tilespmem:v3+s15+$0x0], $0xffff  }
0x125: {  	v6 =	vor.u32 $0x3, v2;
	v3 =	vld.idx.msk [tilespmem:v3+s14+$0x0], $0xffff  }
0x126: {  	v7 =	vld.idx.msk [tilespmem:v2+s15+$0x0], $0xffff  }
0x127: {  	v9 =	vor.u32 $0x4, v2;
	v8 =	vld.idx.msk [tilespmem:v2+s14+$0x0], $0xffff  }
0x128: {  	v10 =	vld.idx.msk [tilespmem:v5+s15+$0x0], $0xffff  }
0x129: {  	v11 =	vor.u32 $0x5, v2;
	v5 =	vld.idx.msk [tilespmem:v5+s14+$0x0], $0xffff  }
0x12a: {  	v12 =	vld.idx.msk [tilespmem:v6+s15+$0x0], $0xffff  }
0x12b: {  	v13 =	vor.u32 $0x6, v2;
	v6 =	vld.idx.msk [tilespmem:v6+s14+$0x0], $0xffff  }
0x12c: {  	v14 =	vld.idx.msk [tilespmem:v9+s15+$0x0], $0xffff  }
0x12d: {  	v3 =	vsub.f32 v3, v4;
	v7 =	vsub.f32 v8, v7;
	v8 =	vor.u32 $0x7, v2;
	v4 =	vld.idx.msk [tilespmem:v9+s14+$0x0], $0xffff  }
0x12e: {  	v15 =	vor.u32 $0x8, v2;
	v9 =	vld.idx.msk [tilespmem:v11+s15+$0x0], $0xffff  }
0x12f: {  	v3 =	vmul.f32 v3, v3;
	v7 =	vmul.f32 v7, v7;
	v5 =	vsub.f32 v5, v10;
	v10 =	vld.idx.msk [tilespmem:v11+s14+$0x0], $0xffff  }
0x130: {  	v16 =	vor.u32 $0x9, v2;
	v11 =	vld.idx.msk [tilespmem:v13+s15+$0x0], $0xffff  }
0x131: {  	v3 =	vadd.f32 v3, v7;
	v5 =	vmul.f32 v5, v5;
	v6 =	vsub.f32 v6, v12;
	v7 =	vld.idx.msk [tilespmem:v13+s14+$0x0], $0xffff  }
0x132: {  	v13 =	vor.u32 $0xA, v2;
	v12 =	vld.idx.msk [tilespmem:v8+s15+$0x0], $0xffff  }
0x133: {  	v3 =	vadd.f32 v5, v3;
	v5 =	vmul.f32 v6, v6;
	v4 =	vsub.f32 v4, v14;
	v6 =	vld.idx.msk [tilespmem:v8+s14+$0x0], $0xffff  }
0x134: {  	v14 =	vor.u32 $0xB, v2;
	v8 =	vld.idx.msk [tilespmem:v15+s15+$0x0], $0xffff  }
0x135: {  	v3 =	vadd.f32 v5, v3;
	v4 =	vmul.f32 v4, v4;
	v5 =	vsub.f32 v10, v9;
	v9 =	vld.idx.msk [tilespmem:v15+s14+$0x0], $0xffff  }
0x136: {  	v15 =	vor.u32 $0xC, v2;
	v10 =	vld.idx.msk [tilespmem:v16+s15+$0x0], $0xffff  }
0x137: {  	v3 =	vadd.f32 v4, v3;
	v4 =	vmul.f32 v5, v5;
	v5 =	vsub.f32 v7, v11;
	v7 =	vld.idx.msk [tilespmem:v16+s14+$0x0], $0xffff  }
0x138: {  	v16 =	vor.u32 $0xD, v2;
	v11 =	vld.idx.msk [tilespmem:v13+s15+$0x0], $0xffff  }
0x139: {  	v3 =	vadd.f32 v4, v3;
	v4 =	vmul.f32 v5, v5;
	v5 =	vsub.f32 v6, v12;
	v6 =	vld.idx.msk [tilespmem:v13+s14+$0x0], $0xffff  }
0x13a: {  	v13 =	vor.u32 $0xE, v2;
	v12 =	vld.idx.msk [tilespmem:v14+s15+$0x0], $0xffff  }
0x13b: {  	v3 =	vadd.f32 v4, v3;
	v4 =	vmul.f32 v5, v5;
	v5 =	vsub.f32 v9, v8;
	v8 =	vld.idx.msk [tilespmem:v14+s14+$0x0], $0xffff  }
0x13c: {  	v14 =	vor.u32 $0xF, v2;
	v9 =	vld.idx.msk [tilespmem:v15+s15+$0x0], $0xffff  }
0x13d: {  	v3 =	vadd.f32 v4, v3;
	v4 =	vmul.f32 v5, v5;
	v5 =	vsub.f32 v7, v10;
	v7 =	vld.idx.msk [tilespmem:v15+s14+$0x0], $0xffff  }
0x13e: {  	v15 =	vor.u32 $0x10, v2;
	v10 =	vld.idx.msk [tilespmem:v16+s15+$0x0], $0xffff  }
0x13f: {  	v3 =	vadd.f32 v4, v3;
	v4 =	vmul.f32 v5, v5;
	v5 =	vsub.f32 v6, v11;
	v6 =	vld.idx.msk [tilespmem:v16+s14+$0x0], $0xffff  }
0x140: {  	v16 =	vor.u32 $0x11, v2;
	v11 =	vld.idx.msk [tilespmem:v13+s15+$0x0], $0xffff  }
0x141: {  	v3 =	vadd.f32 v4, v3;
	v4 =	vmul.f32 v5, v5;
	v5 =	vsub.f32 v8, v12;
	v8 =	vld.idx.msk [tilespmem:v13+s14+$0x0], $0xffff  }
0x142: {  	v13 =	vor.u32 $0x12, v2;
	v12 =	vld.idx.msk [tilespmem:v14+s15+$0x0], $0xffff  }
0x143: {  	v3 =	vadd.f32 v4, v3;
	v4 =	vmul.f32 v5, v5;
	v5 =	vsub.f32 v7, v9;
	v7 =	vld.idx.msk [tilespmem:v14+s14+$0x0], $0xffff  }
0x144: {  	v14 =	vor.u32 $0x13, v2;
	v9 =	vld.idx.msk [tilespmem:v15+s15+$0x0], $0xffff  }
0x145: {  	v3 =	vadd.f32 v4, v3;
	v4 =	vmul.f32 v5, v5;
	v5 =	vsub.f32 v6, v10;
	v6 =	vld.idx.msk [tilespmem:v15+s14+$0x0], $0xffff  }
0x146: {  	v15 =	vor.u32 $0x14, v2;
	v10 =	vld.idx.msk [tilespmem:v16+s15+$0x0], $0xffff  }
0x147: {  	v3 =	vadd.f32 v4, v3;
	v4 =	vmul.f32 v5, v5;
	v5 =	vsub.f32 v8, v11;
	v8 =	vld.idx.msk [tilespmem:v16+s14+$0x0], $0xffff  }
0x148: {  	v16 =	vor.u32 $0x15, v2;
	v11 =	vld.idx.msk [tilespmem:v13+s15+$0x0], $0xffff  }
0x149: {  	v3 =	vadd.f32 v4, v3;
	v4 =	vmul.f32 v5, v5;
	v5 =	vsub.f32 v7, v12;
	v7 =	vld.idx.msk [tilespmem:v13+s14+$0x0], $0xffff  }
0x14a: {  	v13 =	vor.u32 $0x16, v2;
	v12 =	vld.idx.msk [tilespmem:v14+s15+$0x0], $0xffff  }
0x14b: {  	v3 =	vadd.f32 v4, v3;
	v4 =	vmul.f32 v5, v5;
	v5 =	vsub.f32 v6, v9;
	v6 =	vld.idx.msk [tilespmem:v14+s14+$0x0], $0xffff  }
0x14c: {  	v14 =	vor.u32 $0x17, v2;
	v9 =	vld.idx.msk [tilespmem:v15+s15+$0x0], $0xffff  }
0x14d: {  	v3 =	vadd.f32 v4, v3;
	v4 =	vmul.f32 v5, v5;
	v5 =	vsub.f32 v8, v10;
	v8 =	vld.idx.msk [tilespmem:v15+s14+$0x0], $0xffff  }
0x14e: {  	v15 =	vor.u32 $0x18, v2;
	v10 =	vld.idx.msk [tilespmem:v16+s15+$0x0], $0xffff  }
0x14f: {  	v3 =	vadd.f32 v4, v3;
	v4 =	vmul.f32 v5, v5;
	v5 =	vsub.f32 v7, v11;
	v7 =	vld.idx.msk [tilespmem:v16+s14+$0x0], $0xffff  }
0x150: {  	v16 =	vor.u32 $0x19, v2;
	v11 =	vld.idx.msk [tilespmem:v13+s15+$0x0], $0xffff  }
0x151: {  	v3 =	vadd.f32 v4, v3;
	v4 =	vmul.f32 v5, v5;
	v5 =	vsub.f32 v6, v12;
	v6 =	vld.idx.msk [tilespmem:v13+s14+$0x0], $0xffff  }
0x152: {  	v13 =	vor.u32 $0x1A, v2;
	v12 =	vld.idx.msk [tilespmem:v14+s15+$0x0], $0xffff  }
0x153: {  	v3 =	vadd.f32 v4, v3;
	v4 =	vmul.f32 v5, v5;
	v5 =	vsub.f32 v8, v9;
	v8 =	vld.idx.msk [tilespmem:v14+s14+$0x0], $0xffff  }
0x154: {  	v14 =	vor.u32 $0x1B, v2;
	v9 =	vld.idx.msk [tilespmem:v15+s15+$0x0], $0xffff  }
0x155: {  	v3 =	vadd.f32 v4, v3;
	v4 =	vmul.f32 v5, v5;
	v5 =	vsub.f32 v7, v10;
	v7 =	vld.idx.msk [tilespmem:v15+s14+$0x0], $0xffff  }
0x156: {  	v15 =	vor.u32 $0x1C, v2;
	v10 =	vld.idx.msk [tilespmem:v16+s15+$0x0], $0xffff  }
0x157: {  	v3 =	vadd.f32 v4, v3;
	v4 =	vmul.f32 v5, v5;
	v5 =	vsub.f32 v6, v11;
	v6 =	vld.idx.msk [tilespmem:v16+s14+$0x0], $0xffff  }
0x158: {  	v16 =	vor.u32 $0x1D, v2;
	v11 =	vld.idx.msk [tilespmem:v13+s15+$0x0], $0xffff  }
0x159: {  	v3 =	vadd.f32 v4, v3;
	v4 =	vmul.f32 v5, v5;
	v5 =	vsub.f32 v8, v12;
	v8 =	vld.idx.msk [tilespmem:v13+s14+$0x0], $0xffff  }
0x15a: {  	v13 =	vor.u32 $0x1E, v2;
	v12 =	vld.idx.msk [tilespmem:v14+s15+$0x0], $0xffff  }
0x15b: {  	v3 =	vadd.f32 v4, v3;
	v4 =	vmul.f32 v5, v5;
	v5 =	vsub.f32 v7, v9;
	v7 =	vld.idx.msk [tilespmem:v14+s14+$0x0], $0xffff  }
0x15c: {  	v2 =	vor.u32 $0x1F, v2;
	v9 =	vld.idx.msk [tilespmem:v15+s15+$0x0], $0xffff  }
0x15d: {  	v3 =	vadd.f32 v4, v3;
	v4 =	vmul.f32 v5, v5;
	v5 =	vsub.f32 v6, v10;
	v6 =	vld.idx.msk [tilespmem:v15+s14+$0x0], $0xffff  }
0x15e: {  	v10 =	vld.idx.msk [tilespmem:v16+s15+$0x0], $0xffff  }
0x15f: {  	v3 =	vadd.f32 v4, v3;
	v4 =	vmul.f32 v5, v5;
	v5 =	vsub.f32 v8, v11;
	v8 =	vld.idx.msk [tilespmem:v16+s14+$0x0], $0xffff  }
0x160: {  	v11 =	vld.idx.msk [tilespmem:v13+s15+$0x0], $0xffff  }
0x161: {  	v3 =	vadd.f32 v4, v3;
	v4 =	vmul.f32 v5, v5;
	v5 =	vsub.f32 v7, v12;
	v7 =	vld.idx.msk [tilespmem:v13+s14+$0x0], $0xffff  }
0x162: {  	v12 =	vld.idx.msk [tilespmem:v2+s15+$0x0], $0xffff  }
0x163: {  	v3 =	vadd.f32 v4, v3;
	v4 =	vmul.f32 v5, v5;
	v5 =	vsub.f32 v6, v9;
	v2 =	vld.idx.msk [tilespmem:v2+s14+$0x0], $0xffff;
	_ =	sdelay $0x1  }
0x164: {  	v3 =	vadd.f32 v4, v3;
	v4 =	vmul.f32 v5, v5;
	v5 =	vsub.f32 v8, v10;
	_ =	sdelay $0x1  }
0x165: {  	v3 =	vadd.f32 v4, v3;
	v4 =	vmul.f32 v5, v5;
	v5 =	vsub.f32 v7, v11;
	_ =	sdelay $0x1  }
0x166: {  	v3 =	vadd.f32 v4, v3;
	v4 =	vmul.f32 v5, v5;
	v2 =	vsub.f32 v2, v12;
	_ =	sdelay $0x1  }
0x167: {  	v3 =	vadd.f32 v4, v3;
	v2 =	vmul.f32 v2, v2;
	_ =	sdelay $0x1  }
0x168: {  	v2 =	vadd.f32 v2, v3;
	_ =	sdelay $0x1  }
0x169: {  	v3 =	vshra.s32 v2, $0x1;
	v4 =	vmul.f32 $5.000000000e-01, v2  }
0x16a: {  	v3 =	vsub.s32 $0x5F3759DF, v3  }
0x16b: {  	v5 =	vmul.f32 v3, v4;
	_ =	sdelay $0x1  }
0x16c: {  	v5 =	vmul.f32 v3, v5;
	_ =	sdelay $0x1  }
0x16d: {  	v5 =	vsub.f32 $1.500000000e+00, v5;
	_ =	sdelay $0x1  }
0x16e: {  	v3 =	vmul.f32 v3, v5;
	_ =	sdelay $0x1  }
0x16f: {  	v5 =	vmul.f32 v3, v4;
	_ =	sdelay $0x1  }
0x170: {  	v5 =	vmul.f32 v5, v3;
	_ =	sdelay $0x1  }
0x171: {  	v5 =	vsub.f32 $1.500000000e+00, v5;
	_ =	sdelay $0x1  }
0x172: {  	v3 =	vmul.f32 v5, v3;
	_ =	sdelay $0x1  }
0x173: {  	v4 =	vmul.f32 v3, v4;
	_ =	sdelay $0x1  }
0x174: {  	v4 =	vmul.f32 v4, v3  }
0x175: {  	s20 =	sadd.s32 $0x10, s20  }
0x176: {  	s22 =	sadd.s32 $0x10, s22;
	v4 =	vsub.f32 $1.500000000e+00, v4;
	v5 =	vld [tilespmem:s20+$0x0]  }
0x177: {  	v6 =	vld [tilespmem:s22+$0x0]  }
.Ltmp0:
0x178: {  	v3 =	vmul.f32 v4, v3;
	(pc) =	sbr.rel @p0 .LBB2_2-.Ltmp0, $4  }
0x179: {  	v4 =	vmov s24  }
0x17a: {  	v4 =	vshll.u32 v4, $0x5;
	v7 =	vmul.f32 v3, v2  }
0x17b: {  	v2 =	vor.u32 v0, v4  }
0x17c: {  	s24 =	sadd.s32 $0x10, s24;
	v3 =	vor.u32 $0x1, v2;
	v4 =	vadd.f32 v6, v5;
	v5 =	vmul.f32 v7, v1  }
0x17d: {  	_ = 	snop  }
0x17e: {  	v4 =	vsub.f32 v4, v5  }
0x17f: {  	s24 =	sadd.s32 $0x10, s25  }
0x180: {  	v46 =	vor.u32 $0x2, v2;
	[tilespmem:s24+$0x0] =	vst v4  }
0x181: {  	v4 =	vld.idx.msk [tilespmem:v3+s15+$0x0], $0xffff  }
0x182: {  	v6 =	vor.u32 $0x3, v2;
	v3 =	vld.idx.msk [tilespmem:v3+s14+$0x0], $0xffff  }
0x183: {  	v7 =	vld.idx.msk [tilespmem:v2+s15+$0x0], $0xffff  }
0x184: {  	v9 =	vor.u32 $0x4, v2;
	v8 =	vld.idx.msk [tilespmem:v2+s14+$0x0], $0xffff  }
0x185: {  	v10 =	vld.idx.msk [tilespmem:v46+s15+$0x0], $0xffff  }
0x186: {  	v11 =	vor.u32 $0x5, v2;
	v5 =	vld.idx.msk [tilespmem:v46+s14+$0x0], $0xffff  }
0x187: {  	v12 =	vld.idx.msk [tilespmem:v6+s15+$0x0], $0xffff  }
0x188: {  	v13 =	vor.u32 $0x6, v2;
	v6 =	vld.idx.msk [tilespmem:v6+s14+$0x0], $0xffff  }
0x189: {  	v14 =	vld.idx.msk [tilespmem:v9+s15+$0x0], $0xffff;
	v7 =	vsub.f32 v8, v7;
	v3 =	vsub.f32 v3, v4  }
0x18a: {  	v48 =	vor.u32 $0x7, v2;
	v47 =	vld.idx.msk [tilespmem:v9+s14+$0x0], $0xffff  }
0x18b: {  	v49 =	vld.idx.msk [tilespmem:v11+s15+$0x0], $0xffff;
	v5 =	vsub.f32 v5, v10;
	v7 =	vmul.f32 v7, v7;
	v3 =	vmul.f32 v3, v3  }
0x18c: {  	v50 =	vor.u32 $0x8, v2;
	v11 =	vld.idx.msk [tilespmem:v11+s14+$0x0], $0xffff  }
0x18d: {  	v15 =	vld.idx.msk [tilespmem:v13+s15+$0x0], $0xffff;
	v6 =	vsub.f32 v6, v12;
	v5 =	vmul.f32 v5, v5;
	v3 =	vadd.f32 v3, v7  }
0x18e: {  	v51 =	vor.u32 $0x9, v2;
	v52 =	vld.idx.msk [tilespmem:v13+s14+$0x0], $0xffff  }
0x18f: {  	v53 =	vld.idx.msk [tilespmem:v48+s15+$0x0], $0xffff;
	v4 =	vsub.f32 v47, v14;
	v54 =	vmul.f32 v6, v6;
	v3 =	vadd.f32 v5, v3  }
0x190: {  	v55 =	vor.u32 $0xA, v2;
	v8 =	vld.idx.msk [tilespmem:v48+s14+$0x0], $0xffff  }
0x191: {  	v56 =	vld.idx.msk [tilespmem:v50+s15+$0x0], $0xffff;
	v57 =	vsub.f32 v11, v49;
	v4 =	vmul.f32 v4, v4;
	v3 =	vadd.f32 v54, v3  }
0x192: {  	v58 =	vor.u32 $0xB, v2;
	v10 =	vld.idx.msk [tilespmem:v50+s14+$0x0], $0xffff  }
0x193: {  	v59 =	vld.idx.msk [tilespmem:v51+s15+$0x0], $0xffff;
	v61 =	vsub.f32 v52, v15;
	v60 =	vmul.f32 v57, v57;
	v3 =	vadd.f32 v4, v3  }
0x194: {  	v62 =	vor.u32 $0xC, v2;
	v7 =	vld.idx.msk [tilespmem:v51+s14+$0x0], $0xffff  }
0x195: {  	v63 =	vld.idx.msk [tilespmem:v55+s15+$0x0], $0xffff;
	v16 =	vmul.f32 v61, v61;
	v17 =	vsub.f32 v8, v53;
	v3 =	vadd.f32 v60, v3  }
0x196: {  	v18 =	vor.u32 $0xD, v2;
	v6 =	vld.idx.msk [tilespmem:v55+s14+$0x0], $0xffff  }
0x197: {  	v19 =	vld.idx.msk [tilespmem:v58+s15+$0x0], $0xffff;
	v21 =	vsub.f32 v10, v56;
	v20 =	vmul.f32 v17, v17;
	v3 =	vadd.f32 v16, v3  }
0x198: {  	v22 =	vor.u32 $0xE, v2;
	v9 =	vld.idx.msk [tilespmem:v58+s14+$0x0], $0xffff  }
0x199: {  	v23 =	vld.idx.msk [tilespmem:v62+s15+$0x0], $0xffff;
	v24 =	vmul.f32 v21, v21;
	v25 =	vsub.f32 v7, v59;
	v3 =	vadd.f32 v20, v3  }
0x19a: {  	v26 =	vor.u32 $0xF, v2;
	v27 =	vld.idx.msk [tilespmem:v62+s14+$0x0], $0xffff  }
0x19b: {  	v28 =	vld.idx.msk [tilespmem:v18+s15+$0x0], $0xffff;
	v30 =	vsub.f32 v6, v63;
	v29 =	vmul.f32 v25, v25;
	v3 =	vadd.f32 v24, v3  }
0x19c: {  	v31 =	vor.u32 $0x10, v2;
	v8 =	vld.idx.msk [tilespmem:v18+s14+$0x0], $0xffff  }
0x19d: {  	v32 =	vld.idx.msk [tilespmem:v22+s15+$0x0], $0xffff;
	v34 =	vsub.f32 v9, v19;
	v33 =	vmul.f32 v30, v30;
	v3 =	vadd.f32 v29, v3  }
0x19e: {  	v35 =	vor.u32 $0x11, v2;
	v10 =	vld.idx.msk [tilespmem:v22+s14+$0x0], $0xffff  }
0x19f: {  	v36 =	vld.idx.msk [tilespmem:v26+s15+$0x0], $0xffff;
	v38 =	vsub.f32 v27, v23;
	v37 =	vmul.f32 v34, v34;
	v3 =	vadd.f32 v33, v3  }
0x1a0: {  	v39 =	vor.u32 $0x12, v2;
	v7 =	vld.idx.msk [tilespmem:v26+s14+$0x0], $0xffff  }
0x1a1: {  	v40 =	vld.idx.msk [tilespmem:v31+s15+$0x0], $0xffff;
	v41 =	vmul.f32 v38, v38;
	v42 =	vsub.f32 v8, v28;
	v3 =	vadd.f32 v37, v3  }
0x1a2: {  	v43 =	vor.u32 $0x13, v2;
	v6 =	vld.idx.msk [tilespmem:v31+s14+$0x0], $0xffff  }
0x1a3: {  	v44 =	vld.idx.msk [tilespmem:v35+s15+$0x0], $0xffff;
	v46 =	vsub.f32 v10, v32;
	v45 =	vmul.f32 v42, v42;
	v3 =	vadd.f32 v41, v3  }
0x1a4: {  	v47 =	vor.u32 $0x14, v2;
	v9 =	vld.idx.msk [tilespmem:v35+s14+$0x0], $0xffff  }
0x1a5: {  	v48 =	vld.idx.msk [tilespmem:v39+s15+$0x0], $0xffff;
	v49 =	vmul.f32 v46, v46;
	v50 =	vsub.f32 v7, v36;
	v3 =	vadd.f32 v45, v3  }
0x1a6: {  	v11 =	vld.idx.msk [tilespmem:v39+s14+$0x0], $0xffff;
	v51 =	vor.u32 $0x15, v2  }
0x1a7: {  	v52 =	vld.idx.msk [tilespmem:v43+s15+$0x0], $0xffff;
	v54 =	vsub.f32 v6, v40;
	v53 =	vmul.f32 v50, v50;
	v3 =	vadd.f32 v49, v3  }
0x1a8: {  	v55 =	vor.u32 $0x16, v2;
	v8 =	vld.idx.msk [tilespmem:v43+s14+$0x0], $0xffff  }
0x1a9: {  	v56 =	vld.idx.msk [tilespmem:v47+s15+$0x0], $0xffff;
	v58 =	vsub.f32 v9, v44;
	v57 =	vmul.f32 v54, v54;
	v3 =	vadd.f32 v53, v3  }
0x1aa: {  	v59 =	vor.u32 $0x17, v2;
	v10 =	vld.idx.msk [tilespmem:v47+s14+$0x0], $0xffff  }
0x1ab: {  	v62 =	vsub.f32 v11, v48;
	v61 =	vmul.f32 v58, v58;
	v60 =	vld.idx.msk [tilespmem:v51+s15+$0x0], $0xffff;
	v3 =	vadd.f32 v57, v3  }
0x1ac: {  	v63 =	vor.u32 $0x18, v2;
	v7 =	vld.idx.msk [tilespmem:v51+s14+$0x0], $0xffff  }
0x1ad: {  	v18 =	vld.idx.msk [tilespmem:v55+s15+$0x0], $0xffff;
	v19 =	vmul.f32 v62, v62;
	v20 =	vsub.f32 v8, v52;
	v3 =	vadd.f32 v61, v3  }
0x1ae: {  	v21 =	vor.u32 $0x19, v2;
	v6 =	vld.idx.msk [tilespmem:v55+s14+$0x0], $0xffff  }
0x1af: {  	v22 =	vld.idx.msk [tilespmem:v59+s15+$0x0], $0xffff;
	v23 =	vmul.f32 v20, v20;
	v24 =	vsub.f32 v10, v56;
	v3 =	vadd.f32 v19, v3  }
0x1b0: {  	v25 =	vor.u32 $0x1A, v2;
	v9 =	vld.idx.msk [tilespmem:v59+s14+$0x0], $0xffff  }
0x1b1: {  	v26 =	vld.idx.msk [tilespmem:v63+s15+$0x0], $0xffff;
	v28 =	vsub.f32 v7, v60;
	v27 =	vmul.f32 v24, v24;
	v3 =	vadd.f32 v23, v3  }
0x1b2: {  	v11 =	vld.idx.msk [tilespmem:v63+s14+$0x0], $0xffff;
	v29 =	vor.u32 $0x1B, v2  }
0x1b3: {  	v30 =	vld.idx.msk [tilespmem:v21+s15+$0x0], $0xffff;
	v32 =	vsub.f32 v6, v18;
	v31 =	vmul.f32 v28, v28;
	v3 =	vadd.f32 v27, v3  }
0x1b4: {  	v8 =	vld.idx.msk [tilespmem:v21+s14+$0x0], $0xffff;
	v33 =	vor.u32 $0x1C, v2  }
0x1b5: {  	v34 =	vld.idx.msk [tilespmem:v25+s15+$0x0], $0xffff;
	v36 =	vsub.f32 v9, v22;
	v35 =	vmul.f32 v32, v32;
	v3 =	vadd.f32 v31, v3  }
0x1b6: {  	v10 =	vld.idx.msk [tilespmem:v25+s14+$0x0], $0xffff;
	v37 =	vor.u32 $0x1D, v2  }
0x1b7: {  	v40 =	vsub.f32 v11, v26;
	v39 =	vmul.f32 v36, v36;
	v38 =	vld.idx.msk [tilespmem:v29+s15+$0x0], $0xffff;
	v3 =	vadd.f32 v35, v3  }
0x1b8: {  	v7 =	vld.idx.msk [tilespmem:v29+s14+$0x0], $0xffff;
	v41 =	vor.u32 $0x1E, v2  }
0x1b9: {  	v43 =	vmul.f32 v40, v40;
	v44 =	vsub.f32 v8, v30;
	v42 =	vld.idx.msk [tilespmem:v33+s15+$0x0], $0xffff;
	v3 =	vadd.f32 v39, v3  }
0x1ba: {  	v2 =	vor.u32 $0x1F, v2;
	v6 =	vld.idx.msk [tilespmem:v33+s14+$0x0], $0xffff  }
0x1bb: {  	v46 =	vmul.f32 v44, v44;
	v47 =	vsub.f32 v10, v34;
	v45 =	vld.idx.msk [tilespmem:v37+s15+$0x0], $0xffff;
	v3 =	vadd.f32 v43, v3  }
0x1bc: {  	v9 =	vld.idx.msk [tilespmem:v37+s14+$0x0], $0xffff  }
0x1bd: {  	v49 =	vmul.f32 v47, v47;
	v50 =	vsub.f32 v7, v38;
	v48 =	vld.idx.msk [tilespmem:v41+s15+$0x0], $0xffff;
	v3 =	vadd.f32 v46, v3  }
0x1be: {  	v51 =	vld.idx.msk [tilespmem:v41+s14+$0x0], $0xffff  }
0x1bf: {  	v52 =	vld.idx.msk [tilespmem:v2+s15+$0x0], $0xffff;
	v53 =	vmul.f32 v50, v50;
	v54 =	vsub.f32 v6, v42;
	v3 =	vadd.f32 v49, v3  }
0x1c0: {  	v2 =	vld.idx.msk [tilespmem:v2+s14+$0x0], $0xffff  }
0x1c1: {  	v55 =	vmul.f32 v54, v54;
	v56 =	vsub.f32 v9, v45;
	v3 =	vadd.f32 v53, v3;
	_ =	sdelay $0x1  }
0x1c2: {  	v57 =	vmul.f32 v56, v56;
	v58 =	vsub.f32 v51, v48;
	v3 =	vadd.f32 v55, v3;
	_ =	sdelay $0x1  }
0x1c3: {  	v2 =	vsub.f32 v2, v52;
	v59 =	vmul.f32 v58, v58;
	v3 =	vadd.f32 v57, v3;
	_ =	sdelay $0x1  }
0x1c4: {  	v2 =	vmul.f32 v2, v2;
	v3 =	vadd.f32 v59, v3;
	_ =	sdelay $0x1  }
0x1c5: {  	v2 =	vadd.f32 v2, v3;
	_ =	sdelay $0x1  }
0x1c6: {  	v3 =	vshra.s32 v2, $0x1;
	v60 =	vmul.f32 $5.000000000e-01, v2  }
0x1c7: {  	v3 =	vsub.s32 $0x5F3759DF, v3  }
0x1c8: {  	v61 =	vmul.f32 v3, v60;
	_ =	sdelay $0x1  }
0x1c9: {  	v5 =	vmul.f32 v3, v61;
	_ =	sdelay $0x1  }
0x1ca: {  	v5 =	vsub.f32 $1.500000000e+00, v5;
	_ =	sdelay $0x1  }
0x1cb: {  	v3 =	vmul.f32 v3, v5;
	_ =	sdelay $0x1  }
0x1cc: {  	v5 =	vmul.f32 v3, v60;
	_ =	sdelay $0x1  }
0x1cd: {  	v5 =	vmul.f32 v5, v3;
	_ =	sdelay $0x1  }
0x1ce: {  	v5 =	vsub.f32 $1.500000000e+00, v5;
	_ =	sdelay $0x1  }
0x1cf: {  	v3 =	vmul.f32 v5, v3;
	_ =	sdelay $0x1  }
0x1d0: {  	v4 =	vmul.f32 v3, v60;
	_ =	sdelay $0x1  }
0x1d1: {  	v4 =	vmul.f32 v4, v3  }
0x1d2: {  	s20 =	sadd.s32 $0x10, s20  }
0x1d3: {  	s22 =	sadd.s32 $0x10, s22;
	v62 =	vld [tilespmem:s20+$0x0];
	v4 =	vsub.f32 $1.500000000e+00, v4  }
0x1d4: {  	v63 =	vld [tilespmem:s22+$0x0]  }
0x1d5: {  	v3 =	vmul.f32 v4, v3;
	_ =	sdelay $0x1  }
0x1d6: {  	v2 =	vmul.f32 v3, v2;
	_ =	sdelay $0x1  }
0x1d7: {  	v3 =	vadd.f32 v63, v62;
	v1 =	vmul.f32 v2, v1;
	_ =	sdelay $0x1  }
0x1d8: {  	s19 =	sadd.s32 $0x1, s19;
	v1 =	vsub.f32 v3, v1  }
0x1d9: {  	s25 =	sadd.s32 $0x10, s24;
	p0 =	sne.s32 s19, s9  }
.Ltmp1:
0x1da: {  	[tilespmem:s25+$0x0] =	vst v1;
	(pc) =	sbr.rel @p0 .LBB2_1-.Ltmp1, $4  }
0x1db: {  	[hbm4b:s8+s1] =	stream.linear.scatter [tilespmem:s18], [sflag:$0x3], $0x200, $0x38;
	[tilespmem:$0x8A10] =	vst v63  }
0x1dc: {  	_ =	swait.ge [sflag:s10], $0x200  }
0x1dd: {  	[sflag:s10] =	ssyncset.done $0x0  }
0x1de: {  	[sflag:s10] =	ssyncadd.s32 $0xFFFFFE00  }
0x1df: {  	_ =	sfence.sel $0x180000  }
0x1e0: {  	[bflag:$0x0] =	sbarrier.arrive $0xFFFF  }
0x1e1: {  	_ =	strace $0x90000047  }
0x1e2: {  	s0 =	stileid.u32;
	[bflag:$0x2] =	sbarrier.arrive $0xFFFF  }
0x1e3: {  	p0 =	sne.s32 s0, $0x0;
	s0 =	rddreg [dreg:$0x4]  }
0x1e4: {  	s0 =	sadd.s32 @!p0 $0x100000, s0  }
0x1e5: {  	[sflag:s0] =	ssyncadd.tile.s32 @!p0 $0x1;
	_ =	shalt  }
.Lfunc_end2:
_tile_overlayer_lowered:
.L_overlay_start_2:
0x1e6: {  	(tag) =	ssettag $0x2  }
0x1e7: {  	s0 =	rddreg [dreg:$0x0];
	s2 =	stileid.u32  }
0x1e8: {  	s1 =	rddreg [dreg:$0x1];
	p0 =	sne.s32 s2, $0x0  }
0x1e9: {  	s3 =	rddreg [dreg:$0x2];
	[bflag:$0x3] =	sbarrier.arrive $0xFFFF;
	s2 =	simm.s32 @!p0 $0x1C03  }
0x1ea: {  	[timem:s3], [sflag:s2] =	dma.local @!p0 [hbm:s0], s1  }
0x1eb: {  	s0 =	simm.s32 @!p0 $0x3  }
0x1ec: {  	_ =	swait.ge @!p0 [sflag:s0], s1  }
0x1ed: {  	s1 =	ssub.s32 @!p0 $0x0, s1;
	[sflag:s0] =	ssyncset.done @!p0 $0x0  }
0x1ee: {  	[sflag:s0] =	ssyncadd.s32 @!p0 s1  }
0x1ef: {  	[bflag:$0x3] =	sbarrier.arrive $0xFFFF  }
0x1f0: {  	_ =	shalt  }

</sc_bundles>
